<compile_context>
chip_gen: v7x
topology: tpu7x:2x2x1
jax: 0.10.2.dev20260603
libtpu: 0.0.44.dev20260713+nightly
codegen_flags: <defaults>
</compile_context>

<pallas_src>
import functools

import jax
import jax.numpy as jnp
from jax import lax
from jax.experimental import pallas as pl
from jax.experimental.pallas import tpu as pltpu
from jax.experimental.pallas import tpu_sc as plsc

_BINS = 8
_MIN_W = 0.001
_MIN_H = 0.001
_MIN_D = 0.001
_TAIL = 3.0
_N = 2097152
_P = 3 * _BINS + 1

_NC, _NS, _L = 2, 16, 16
_NW = _NC * _NS
_ROWS_PER_W = _N // _NW
_CHUNK = 2048
_NCHUNK = _ROWS_PER_W // _CHUNK
_GROUPS = _CHUNK // _L

_LN2 = 0.6931471805599453


def _log_f32(x):
    bits = lax.bitcast_convert_type(x, jnp.int32)
    e = (bits >> 23) & 0xFF
    m_bits = (bits & 0x007FFFFF) | 0x3F800000
    m = lax.bitcast_convert_type(m_bits, jnp.float32)
    big = m > jnp.float32(1.4142135)
    m = jnp.where(big, m * jnp.float32(0.5), m)
    e = jnp.where(big, e - 126, e - 127)
    ef = e.astype(jnp.float32)
    s = (m - 1.0) / (m + 1.0)
    s2 = s * s
    p = jnp.float32(2.0) * s * (
        1.0 + s2 * (jnp.float32(1.0 / 3.0) + s2 * (jnp.float32(0.2)
            + s2 * (jnp.float32(1.0 / 7.0) + s2 * jnp.float32(1.0 / 9.0)))))
    return ef * jnp.float32(_LN2) + p


def _softplus(x):
    return jnp.maximum(x, 0.0) + _log_f32(1.0 + jnp.exp(-jnp.abs(x)))


def _rqs_group(theta_v, y_v, tu_v, ld_v, g):
    row = g * _L + lax.broadcasted_iota(jnp.int32, (_L,), 0)
    flat = row * _P

    uw = [plsc.load_gather(theta_v, [flat + j]) for j in range(_BINS)]
    uh = [plsc.load_gather(theta_v, [flat + (_BINS + j)]) for j in range(_BINS)]
    ud = [plsc.load_gather(theta_v, [flat + (2 * _BINS + j)])
          for j in range(1, _BINS)]
    y = y_v[pl.ds(g * _L, _L)]

    def norm_bins(u, min_b):
        m = u[0]
        for j in range(1, _BINS):
            m = jnp.maximum(m, u[j])
        e = [jnp.exp(u[j] - m) for j in range(_BINS)]
        s = e[0]
        for j in range(1, _BINS):
            s = s + e[j]
        rinv = 1.0 / s
        c = jnp.float32(1.0 - min_b * _BINS)
        return [jnp.float32(min_b) + c * e[j] * rinv for j in range(_BINS)]

    w = norm_bins(uw, _MIN_W)
    h = norm_bins(uh, _MIN_H)

    def knots(v):
        cw = [jnp.full((_L,), -_TAIL, jnp.float32)]
        s = v[0]
        for j in range(1, _BINS):
            cw.append(jnp.float32(2.0 * _TAIL) * s - _TAIL)
            s = s + v[j]
        cw.append(jnp.full((_L,), _TAIL, jnp.float32))
        return cw

    cw = knots(w)
    ch = knots(h)
    W = [cw[k + 1] - cw[k] for k in range(_BINS)]
    H = [ch[k + 1] - ch[k] for k in range(_BINS)]
    one = jnp.full((_L,), 1.0, jnp.float32)
    d = [one] + [jnp.float32(_MIN_D) + _softplus(u) for u in ud] + [one]

    yc = jnp.clip(y, -_TAIL, _TAIL)
    q_cw, q_W, q_ch, q_H, q_d, q_d1 = cw[0], W[0], ch[0], H[0], d[0], d[1]
    for k in range(1, _BINS):
        ge = yc >= cw[k]
        q_cw = jnp.where(ge, cw[k], q_cw)
        q_W = jnp.where(ge, W[k], q_W)
        q_ch = jnp.where(ge, ch[k], q_ch)
        q_H = jnp.where(ge, H[k], q_H)
        q_d = jnp.where(ge, d[k], q_d)
        q_d1 = jnp.where(ge, d[k + 1], q_d1)

    delta = q_H / q_W
    th = (yc - q_cw) / q_W
    th_om = th * (1.0 - th)
    th2 = th * th
    num = q_H * (delta * th2 + q_d * th_om)
    den = delta + (q_d + q_d1 - 2.0 * delta) * th_om
    out_in = q_ch + num / den
    omth = 1.0 - th
    dnum = delta * delta * (q_d1 * th2 + 2.0 * delta * th_om + q_d * omth * omth)
    ld_in = _log_f32(dnum / (den * den))

    inside = (y >= -_TAIL) & (y <= _TAIL)
    tu_v[pl.ds(g * _L, _L)] = jnp.where(inside, out_in, y)
    ld_v[pl.ds(g * _L, _L)] = jnp.where(inside, ld_in, jnp.float32(0.0))


def _sc_body(theta_hbm, y_hbm, tu_hbm, ld_hbm, theta_v, y_v, tu_v, ld_v):
    wid = lax.axis_index("s") * _NC + lax.axis_index("c")
    base = wid * _ROWS_PER_W

    def chunk_body(ci, carry):
        cbase = base + ci * _CHUNK
        pltpu.sync_copy(theta_hbm.at[pl.ds(cbase * _P, _CHUNK * _P)], theta_v)
        pltpu.sync_copy(y_hbm.at[pl.ds(cbase, _CHUNK)], y_v)

        def group_body(g, c):
            _rqs_group(theta_v, y_v, tu_v, ld_v, g)
            return c

        lax.fori_loop(0, _GROUPS, group_body, 0)
        pltpu.sync_copy(tu_v, tu_hbm.at[pl.ds(cbase, _CHUNK)])
        pltpu.sync_copy(ld_v, ld_hbm.at[pl.ds(cbase, _CHUNK)])
        return carry

    lax.fori_loop(0, _NCHUNK, chunk_body, 0)


_rqs_sc = functools.partial(
    pl.kernel,
    out_type=(
        jax.ShapeDtypeStruct((_N,), jnp.float32),
        jax.ShapeDtypeStruct((_N,), jnp.float32),
    ),
    mesh=plsc.VectorSubcoreMesh(core_axis_name="c", subcore_axis_name="s"),
    compiler_params=pltpu.CompilerParams(needs_layout_passes=False),
    scratch_types=[
        pltpu.VMEM((_CHUNK * _P,), jnp.float32),
        pltpu.VMEM((_CHUNK,), jnp.float32),
        pltpu.VMEM((_CHUNK,), jnp.float32),
        pltpu.VMEM((_CHUNK,), jnp.float32),
    ],
)(_sc_body)


def kernel(theta, y):
    tu, ld = _rqs_sc(theta.reshape(-1), y)
    return tu.reshape(-1, 1), ld

# --- scband reference (transcript-rebuilt; emitter-appended) ---
"""Pipeline reference for scband-rqslayer-5540507812121 (READ-ONLY COPY).

The authoritative reference and input builder live on the scoring server;
editing this copy changes nothing except your own understanding.
"""

import jax, jax.numpy as jnp
import numpy as np

BINS = 8
MIN_W = 0.001
MIN_H = 0.001
MIN_D = 0.001
TAIL = 3.0
N = 2097152


def setup_inputs(seed: int = 0):
    key = jax.random.key(seed)
    k1, k2 = jax.random.split(key)
    theta = jax.random.normal(k1, (N, 3 * BINS + 1), dtype=jnp.float32)
    y = jax.random.normal(k2, (N,), dtype=jnp.float32)
    return {"theta": theta, "y": y}


def _gather(t, idx):
    return jnp.take_along_axis(t, idx[:, None], axis=1)[:, 0]


def _rqs_forward(inputs, uw, uh, ud, left, right, bottom, top, min_bw, min_bh, min_d):
    num_bins = uw.shape[-1]
    widths = min_bw + (1.0 - min_bw * num_bins) * jax.nn.softmax(uw, axis=-1)
    cumwidths = jnp.concatenate([jnp.zeros((uw.shape[0], 1), uw.dtype), jnp.cumsum(widths, axis=-1)], axis=-1)
    cumwidths = (right - left) * cumwidths + left
    cumwidths = cumwidths.at[:, 0].set(left)
    cumwidths = cumwidths.at[:, -1].set(right)
    widths = cumwidths[:, 1:] - cumwidths[:, :-1]
    constant = float(np.log(np.exp(1.0 - min_d) - 1.0))
    ud = ud.at[:, 0].set(constant)
    ud = ud.at[:, -1].set(constant)
    derivatives = min_d + jax.nn.softplus(ud)
    heights = min_bh + (1.0 - min_bh * num_bins) * jax.nn.softmax(uh, axis=-1)
    cumheights = jnp.concatenate([jnp.zeros((uh.shape[0], 1), uh.dtype), jnp.cumsum(heights, axis=-1)], axis=-1)
    cumheights = (top - bottom) * cumheights + bottom
    cumheights = cumheights.at[:, 0].set(bottom)
    cumheights = cumheights.at[:, -1].set(top)
    heights = cumheights[:, 1:] - cumheights[:, :-1]
    bin_idx = jnp.clip(jnp.sum((inputs[:, None] >= cumwidths).astype(jnp.int32), axis=-1) - 1, 0, num_bins - 1)
    input_cumwidths = _gather(cumwidths, bin_idx)
    input_bin_widths = _gather(widths, bin_idx)
    input_cumheights = _gather(cumheights, bin_idx)
    delta = heights / widths
    input_delta = _gather(delta, bin_idx)
    input_derivatives = _gather(derivatives, bin_idx)
    input_derivatives_p1 = _gather(derivatives, bin_idx + 1)
    input_heights = _gather(heights, bin_idx)
    th = (inputs - input_cumwidths) / input_bin_widths
    th_om = th * (1.0 - th)
    numerator = input_heights * (input_delta * th ** 2 + input_derivatives * th_om)
    denominator = input_delta + (input_derivatives + input_derivatives_p1 - 2.0 * input_delta) * th_om
    outputs = input_cumheights + numerator / denominator
    deriv_num = input_delta ** 2 * (input_derivatives_p1 * th ** 2 + 2.0 * input_delta * th_om + input_derivatives * (1.0 - th) ** 2)
    logabsdet = jnp.log(deriv_num) - 2.0 * jnp.log(denominator)
    return outputs, logabsdet


def _unconstrained_rqs(inputs, uw, uh, ud, tail_bound, min_bw, min_bh, min_d):
    inside = (inputs >= -tail_bound) & (inputs <= tail_bound)
    clipped = jnp.clip(inputs, -tail_bound, tail_bound)
    out_in, ld_in = _rqs_forward(clipped, uw, uh, ud, -tail_bound, tail_bound, -tail_bound, tail_bound, min_bw, min_bh, min_d)
    outputs = jnp.where(inside, out_in, inputs)
    logabsdet = jnp.where(inside, ld_in, 0.0)
    in_mask_count = jnp.sum(inside.astype(jnp.int32))
    return outputs, logabsdet, in_mask_count


def reference(theta, y):
    Tu, ld, _ = _unconstrained_rqs(
        y.reshape(-1),
        theta[:, :BINS],
        theta[:, BINS:2 * BINS],
        theta[:, 2 * BINS:3 * BINS + 1],
        TAIL, MIN_W, MIN_H, MIN_D,
    )
    return (Tu.reshape(-1, 1), ld)

if __name__ == "__main__":
    import jax
    _d = setup_inputs()
    print(jax.jit(kernel)(*tuple(_d.values())))

</pallas_src>

<mosaic_0001>
#map = affine_map<(d0, d1) -> (0)>
module attributes {stable_mosaic.version = 14 : i64} {
  func.func @_sc_body(%arg0: i32, %arg1: i32, %arg2: memref<52428800xf32, #tpu.memory_space<hbm>>, %arg3: memref<2097152xf32, #tpu.memory_space<hbm>>, %arg4: memref<2097152xf32, #tpu.memory_space<hbm>>, %arg5: memref<2097152xf32, #tpu.memory_space<hbm>>, %arg6: memref<51200xf32, #tpu.memory_space<vmem>>, %arg7: memref<2048xf32, #tpu.memory_space<vmem>>, %arg8: memref<2048xf32, #tpu.memory_space<vmem>>, %arg9: memref<2048xf32, #tpu.memory_space<vmem>>) attributes {dimension_semantics = [#tpu.dimension_semantics<core_parallel>, #tpu.dimension_semantics<subcore_parallel>], iteration_bounds = array<i64: 2, 16>, scalar_prefetch = 0 : i64, scratch_operands = 4 : i64, tpu.core_type = #tpu.core_type<sc_vector_subcore>, window_params = [{transform_indices = #map}, {transform_indices = #map}, {transform_indices = #map}, {transform_indices = #map}]} {
    %mul3A = arith.constant 2 : i32
    %mul3A_0 = arith.muli %arg1, %mul3A : i32
    %add3A = arith.addi %mul3A_0, %arg0 : i32
    %mul3A_1 = arith.constant 65536 : i32
    %mul3A_2 = arith.muli %add3A, %mul3A_1 : i32
    %scan3A = arith.constant 0 : i32
    %scan3A_3 = arith.constant 0 : i32
    %scan3A_4 = arith.constant 32 : i32
    %scan3A_5 = arith.addi %scan3A_3, %scan3A_4 : i32
    %scan3A_6 = arith.constant 1 : i32
    scf.for %scan3A_8 = %scan3A_3 to %scan3A_5 step %scan3A_6  : i32 {
      %mul3A_9 = arith.constant 2048 : i32
      %mul3A_10 = arith.muli %scan3A_8, %mul3A_9 : i32
      %add3A_11 = arith.addi %mul3A_2, %mul3A_10 : i32
      %mul3A_12 = arith.constant 25 : i32
      %mul3A_13 = arith.muli %add3A_11, %mul3A_12 : i32
      "tpu.region"() ({
        %run_scoped3A = tpu.sem_alloc : memref<!tpu.dma_semaphore, #tpu.memory_space<semaphore_mem>>
        %dma_start3A = tpu.memref_slice %arg2[%mul3A_13] : memref<52428800xf32, #tpu.memory_space<hbm>> -> memref<51200xf32, #tpu.memory_space<hbm>>
        %dma_start3A_20 = tpu.memref_slice %arg2[%mul3A_13] : memref<52428800xf32, #tpu.memory_space<hbm>> -> memref<51200xf32, #tpu.memory_space<hbm>>
        tpu.enqueue_dma source(%dma_start3A_20 : memref<51200xf32, #tpu.memory_space<hbm>>) target(%arg6 : memref<51200xf32, #tpu.memory_space<vmem>>) target_semaphore(%run_scoped3A : memref<!tpu.dma_semaphore, #tpu.memory_space<semaphore_mem>>)
        %dma_wait3A = tpu.memref_slice %arg2[%mul3A_13] : memref<52428800xf32, #tpu.memory_space<hbm>> -> memref<51200xf32, #tpu.memory_space<hbm>>
        %dma_wait3A_21 = tpu.memref_slice %arg2[%mul3A_13] : memref<52428800xf32, #tpu.memory_space<hbm>> -> memref<51200xf32, #tpu.memory_space<hbm>>
        tpu.wait_dma2 semaphore(%run_scoped3A : memref<!tpu.dma_semaphore, #tpu.memory_space<semaphore_mem>>) src(%dma_wait3A_21 : memref<51200xf32, #tpu.memory_space<hbm>>) dst(%arg6 : memref<51200xf32, #tpu.memory_space<vmem>>)
        tpu.yield
      }) : () -> ()
      "tpu.region"() ({
        %run_scoped3A = tpu.sem_alloc : memref<!tpu.dma_semaphore, #tpu.memory_space<semaphore_mem>>
        %dma_start3A = tpu.memref_slice %arg3[%add3A_11] : memref<2097152xf32, #tpu.memory_space<hbm>> -> memref<2048xf32, #tpu.memory_space<hbm>>
        %dma_start3A_20 = tpu.memref_slice %arg3[%add3A_11] : memref<2097152xf32, #tpu.memory_space<hbm>> -> memref<2048xf32, #tpu.memory_space<hbm>>
        tpu.enqueue_dma source(%dma_start3A_20 : memref<2048xf32, #tpu.memory_space<hbm>>) target(%arg7 : memref<2048xf32, #tpu.memory_space<vmem>>) target_semaphore(%run_scoped3A : memref<!tpu.dma_semaphore, #tpu.memory_space<semaphore_mem>>)
        %dma_wait3A = tpu.memref_slice %arg3[%add3A_11] : memref<2097152xf32, #tpu.memory_space<hbm>> -> memref<2048xf32, #tpu.memory_space<hbm>>
        %dma_wait3A_21 = tpu.memref_slice %arg3[%add3A_11] : memref<2097152xf32, #tpu.memory_space<hbm>> -> memref<2048xf32, #tpu.memory_space<hbm>>
        tpu.wait_dma2 semaphore(%run_scoped3A : memref<!tpu.dma_semaphore, #tpu.memory_space<semaphore_mem>>) src(%dma_wait3A_21 : memref<2048xf32, #tpu.memory_space<hbm>>) dst(%arg7 : memref<2048xf32, #tpu.memory_space<vmem>>)
        tpu.yield
      }) : () -> ()
      %scan3A_14 = arith.constant 0 : i32
      %scan3A_15 = arith.constant 0 : i32
      %scan3A_16 = arith.constant 128 : i32
      %scan3A_17 = arith.addi %scan3A_15, %scan3A_16 : i32
      %scan3A_18 = arith.constant 1 : i32
      scf.for %scan3A_20 = %scan3A_15 to %scan3A_17 step %scan3A_18  : i32 {
        %mul3A_21 = arith.constant 16 : i32
        %mul3A_22 = arith.muli %scan3A_20, %mul3A_21 : i32
        %iota3A = tpu.iota {dimensions = array<i32: 0>} : vector<16xi32>
        %add3A_23 = vector.broadcast %mul3A_22 : i32 to vector<16xi32>
        %add3A_24 = arith.addi %add3A_23, %iota3A : vector<16xi32>
        %mul3A_25 = arith.constant 25 : i32
        %mul3A_26 = vector.broadcast %mul3A_25 : i32 to vector<16xi32>
        %mul3A_27 = arith.muli %add3A_24, %mul3A_26 : vector<16xi32>
        %add3A_28 = arith.constant 0 : i32
        %add3A_29 = vector.broadcast %add3A_28 : i32 to vector<16xi32>
        %add3A_30 = arith.addi %mul3A_27, %add3A_29 : vector<16xi32>
        %gather3A = tpu.vector_load_idx %arg6[%add3A_30] : memref<51200xf32, #tpu.memory_space<vmem>>[vector<16xi32>], vector<16xf32>,
        %add3A_31 = arith.constant 1 : i32
        %add3A_32 = vector.broadcast %add3A_31 : i32 to vector<16xi32>
        %add3A_33 = arith.addi %mul3A_27, %add3A_32 : vector<16xi32>
        %gather3A_34 = tpu.vector_load_idx %arg6[%add3A_33] : memref<51200xf32, #tpu.memory_space<vmem>>[vector<16xi32>], vector<16xf32>,
        %add3A_35 = arith.constant 2 : i32
        %add3A_36 = vector.broadcast %add3A_35 : i32 to vector<16xi32>
        %add3A_37 = arith.addi %mul3A_27, %add3A_36 : vector<16xi32>
        %gather3A_38 = tpu.vector_load_idx %arg6[%add3A_37] : memref<51200xf32, #tpu.memory_space<vmem>>[vector<16xi32>], vector<16xf32>,
        %add3A_39 = arith.constant 3 : i32
        %add3A_40 = vector.broadcast %add3A_39 : i32 to vector<16xi32>
        %add3A_41 = arith.addi %mul3A_27, %add3A_40 : vector<16xi32>
        %gather3A_42 = tpu.vector_load_idx %arg6[%add3A_41] : memref<51200xf32, #tpu.memory_space<vmem>>[vector<16xi32>], vector<16xf32>,
        %add3A_43 = arith.constant 4 : i32
        %add3A_44 = vector.broadcast %add3A_43 : i32 to vector<16xi32>
        %add3A_45 = arith.addi %mul3A_27, %add3A_44 : vector<16xi32>
        %gather3A_46 = tpu.vector_load_idx %arg6[%add3A_45] : memref<51200xf32, #tpu.memory_space<vmem>>[vector<16xi32>], vector<16xf32>,
        %add3A_47 = arith.constant 5 : i32
        %add3A_48 = vector.broadcast %add3A_47 : i32 to vector<16xi32>
        %add3A_49 = arith.addi %mul3A_27, %add3A_48 : vector<16xi32>
        %gather3A_50 = tpu.vector_load_idx %arg6[%add3A_49] : memref<51200xf32, #tpu.memory_space<vmem>>[vector<16xi32>], vector<16xf32>,
        %add3A_51 = arith.constant 6 : i32
        %add3A_52 = vector.broadcast %add3A_51 : i32 to vector<16xi32>
        %add3A_53 = arith.addi %mul3A_27, %add3A_52 : vector<16xi32>
        %gather3A_54 = tpu.vector_load_idx %arg6[%add3A_53] : memref<51200xf32, #tpu.memory_space<vmem>>[vector<16xi32>], vector<16xf32>,
        %add3A_55 = arith.constant 7 : i32
        %add3A_56 = vector.broadcast %add3A_55 : i32 to vector<16xi32>
        %add3A_57 = arith.addi %mul3A_27, %add3A_56 : vector<16xi32>
        %gather3A_58 = tpu.vector_load_idx %arg6[%add3A_57] : memref<51200xf32, #tpu.memory_space<vmem>>[vector<16xi32>], vector<16xf32>,
        %add3A_59 = arith.constant 8 : i32
        %add3A_60 = vector.broadcast %add3A_59 : i32 to vector<16xi32>
        %add3A_61 = arith.addi %mul3A_27, %add3A_60 : vector<16xi32>
        %gather3A_62 = tpu.vector_load_idx %arg6[%add3A_61] : memref<51200xf32, #tpu.memory_space<vmem>>[vector<16xi32>], vector<16xf32>,
        %add3A_63 = arith.constant 9 : i32
        %add3A_64 = vector.broadcast %add3A_63 : i32 to vector<16xi32>
        %add3A_65 = arith.addi %mul3A_27, %add3A_64 : vector<16xi32>
        %gather3A_66 = tpu.vector_load_idx %arg6[%add3A_65] : memref<51200xf32, #tpu.memory_space<vmem>>[vector<16xi32>], vector<16xf32>,
        %add3A_67 = arith.constant 10 : i32
        %add3A_68 = vector.broadcast %add3A_67 : i32 to vector<16xi32>
        %add3A_69 = arith.addi %mul3A_27, %add3A_68 : vector<16xi32>
        %gather3A_70 = tpu.vector_load_idx %arg6[%add3A_69] : memref<51200xf32, #tpu.memory_space<vmem>>[vector<16xi32>], vector<16xf32>,
        %add3A_71 = arith.constant 11 : i32
        %add3A_72 = vector.broadcast %add3A_71 : i32 to vector<16xi32>
        %add3A_73 = arith.addi %mul3A_27, %add3A_72 : vector<16xi32>
        %gather3A_74 = tpu.vector_load_idx %arg6[%add3A_73] : memref<51200xf32, #tpu.memory_space<vmem>>[vector<16xi32>], vector<16xf32>,
        %add3A_75 = arith.constant 12 : i32
        %add3A_76 = vector.broadcast %add3A_75 : i32 to vector<16xi32>
        %add3A_77 = arith.addi %mul3A_27, %add3A_76 : vector<16xi32>
        %gather3A_78 = tpu.vector_load_idx %arg6[%add3A_77] : memref<51200xf32, #tpu.memory_space<vmem>>[vector<16xi32>], vector<16xf32>,
        %add3A_79 = arith.constant 13 : i32
        %add3A_80 = vector.broadcast %add3A_79 : i32 to vector<16xi32>
        %add3A_81 = arith.addi %mul3A_27, %add3A_80 : vector<16xi32>
        %gather3A_82 = tpu.vector_load_idx %arg6[%add3A_81] : memref<51200xf32, #tpu.memory_space<vmem>>[vector<16xi32>], vector<16xf32>,
        %add3A_83 = arith.constant 14 : i32
        %add3A_84 = vector.broadcast %add3A_83 : i32 to vector<16xi32>
        %add3A_85 = arith.addi %mul3A_27, %add3A_84 : vector<16xi32>
        %gather3A_86 = tpu.vector_load_idx %arg6[%add3A_85] : memref<51200xf32, #tpu.memory_space<vmem>>[vector<16xi32>], vector<16xf32>,
        %add3A_87 = arith.constant 15 : i32
        %add3A_88 = vector.broadcast %add3A_87 : i32 to vector<16xi32>
        %add3A_89 = arith.addi %mul3A_27, %add3A_88 : vector<16xi32>
        %gather3A_90 = tpu.vector_load_idx %arg6[%add3A_89] : memref<51200xf32, #tpu.memory_space<vmem>>[vector<16xi32>], vector<16xf32>,
        %add3A_91 = arith.constant 17 : i32
        %add3A_92 = vector.broadcast %add3A_91 : i32 to vector<16xi32>
        %add3A_93 = arith.addi %mul3A_27, %add3A_92 : vector<16xi32>
        %gather3A_94 = tpu.vector_load_idx %arg6[%add3A_93] : memref<51200xf32, #tpu.memory_space<vmem>>[vector<16xi32>], vector<16xf32>,
        %add3A_95 = arith.constant 18 : i32
        %add3A_96 = vector.broadcast %add3A_95 : i32 to vector<16xi32>
        %add3A_97 = arith.addi %mul3A_27, %add3A_96 : vector<16xi32>
        %gather3A_98 = tpu.vector_load_idx %arg6[%add3A_97] : memref<51200xf32, #tpu.memory_space<vmem>>[vector<16xi32>], vector<16xf32>,
        %add3A_99 = arith.constant 19 : i32
        %add3A_100 = vector.broadcast %add3A_99 : i32 to vector<16xi32>
        %add3A_101 = arith.addi %mul3A_27, %add3A_100 : vector<16xi32>
        %gather3A_102 = tpu.vector_load_idx %arg6[%add3A_101] : memref<51200xf32, #tpu.memory_space<vmem>>[vector<16xi32>], vector<16xf32>,
        %add3A_103 = arith.constant 20 : i32
        %add3A_104 = vector.broadcast %add3A_103 : i32 to vector<16xi32>
        %add3A_105 = arith.addi %mul3A_27, %add3A_104 : vector<16xi32>
        %gather3A_106 = tpu.vector_load_idx %arg6[%add3A_105] : memref<51200xf32, #tpu.memory_space<vmem>>[vector<16xi32>], vector<16xf32>,
        %add3A_107 = arith.constant 21 : i32
        %add3A_108 = vector.broadcast %add3A_107 : i32 to vector<16xi32>
        %add3A_109 = arith.addi %mul3A_27, %add3A_108 : vector<16xi32>
        %gather3A_110 = tpu.vector_load_idx %arg6[%add3A_109] : memref<51200xf32, #tpu.memory_space<vmem>>[vector<16xi32>], vector<16xf32>,
        %add3A_111 = arith.constant 22 : i32
        %add3A_112 = vector.broadcast %add3A_111 : i32 to vector<16xi32>
        %add3A_113 = arith.addi %mul3A_27, %add3A_112 : vector<16xi32>
        %gather3A_114 = tpu.vector_load_idx %arg6[%add3A_113] : memref<51200xf32, #tpu.memory_space<vmem>>[vector<16xi32>], vector<16xf32>,
        %add3A_115 = arith.constant 23 : i32
        %add3A_116 = vector.broadcast %add3A_115 : i32 to vector<16xi32>
        %add3A_117 = arith.addi %mul3A_27, %add3A_116 : vector<16xi32>
        %gather3A_118 = tpu.vector_load_idx %arg6[%add3A_117] : memref<51200xf32, #tpu.memory_space<vmem>>[vector<16xi32>], vector<16xf32>,
        %mul3A_119 = arith.constant 16 : i32
        %mul3A_120 = arith.muli %scan3A_20, %mul3A_119 : i32
        %get3A = arith.index_cast %mul3A_120 : i32 to index
        %get3A_121 = tpu.vector_load %arg7[%get3A] {strides = array<i32>} : memref<2048xf32, #tpu.memory_space<vmem>>, vector<16xf32>,
        %max3A = arith.maximumf %gather3A, %gather3A_34 : vector<16xf32>
        %max3A_122 = arith.maximumf %max3A, %gather3A_38 : vector<16xf32>
        %max3A_123 = arith.maximumf %max3A_122, %gather3A_42 : vector<16xf32>
        %max3A_124 = arith.maximumf %max3A_123, %gather3A_46 : vector<16xf32>
        %max3A_125 = arith.maximumf %max3A_124, %gather3A_50 : vector<16xf32>
        %max3A_126 = arith.maximumf %max3A_125, %gather3A_54 : vector<16xf32>
        %max3A_127 = arith.maximumf %max3A_126, %gather3A_58 : vector<16xf32>
        %sub3A = arith.subf %gather3A, %max3A_127 : vector<16xf32>
        %exp3A = math.exp %sub3A : vector<16xf32>
        %sub3A_128 = arith.subf %gather3A_34, %max3A_127 : vector<16xf32>
        %exp3A_129 = math.exp %sub3A_128 : vector<16xf32>
        %sub3A_130 = arith.subf %gather3A_38, %max3A_127 : vector<16xf32>
        %exp3A_131 = math.exp %sub3A_130 : vector<16xf32>
        %sub3A_132 = arith.subf %gather3A_42, %max3A_127 : vector<16xf32>
        %exp3A_133 = math.exp %sub3A_132 : vector<16xf32>
        %sub3A_134 = arith.subf %gather3A_46, %max3A_127 : vector<16xf32>
        %exp3A_135 = math.exp %sub3A_134 : vector<16xf32>
        %sub3A_136 = arith.subf %gather3A_50, %max3A_127 : vector<16xf32>
        %exp3A_137 = math.exp %sub3A_136 : vector<16xf32>
        %sub3A_138 = arith.subf %gather3A_54, %max3A_127 : vector<16xf32>
        %exp3A_139 = math.exp %sub3A_138 : vector<16xf32>
        %sub3A_140 = arith.subf %gather3A_58, %max3A_127 : vector<16xf32>
        %exp3A_141 = math.exp %sub3A_140 : vector<16xf32>
        %add3A_142 = arith.addf %exp3A, %exp3A_129 : vector<16xf32>
        %add3A_143 = arith.addf %add3A_142, %exp3A_131 : vector<16xf32>
        %add3A_144 = arith.addf %add3A_143, %exp3A_133 : vector<16xf32>
        %add3A_145 = arith.addf %add3A_144, %exp3A_135 : vector<16xf32>
        %add3A_146 = arith.addf %add3A_145, %exp3A_137 : vector<16xf32>
        %add3A_147 = arith.addf %add3A_146, %exp3A_139 : vector<16xf32>
        %add3A_148 = arith.addf %add3A_147, %exp3A_141 : vector<16xf32>
        %div3A = arith.constant 1.000000e+00 : f32
        %div3A_149 = vector.broadcast %div3A : f32 to vector<16xf32>
        %div3A_150 = arith.divf %div3A_149, %add3A_148 : vector<16xf32>
        %mul3A_151 = arith.constant 0.991999983 : f32
        %mul3A_152 = vector.broadcast %mul3A_151 : f32 to vector<16xf32>
        %mul3A_153 = arith.mulf %mul3A_152, %exp3A : vector<16xf32>
        %mul3A_154 = arith.mulf %mul3A_153, %div3A_150 : vector<16xf32>
        %add3A_155 = arith.constant 1.000000e-03 : f32
        %add3A_156 = vector.broadcast %add3A_155 : f32 to vector<16xf32>
        %add3A_157 = arith.addf %add3A_156, %mul3A_154 : vector<16xf32>
        %mul3A_158 = arith.constant 0.991999983 : f32
        %mul3A_159 = vector.broadcast %mul3A_158 : f32 to vector<16xf32>
        %mul3A_160 = arith.mulf %mul3A_159, %exp3A_129 : vector<16xf32>
        %mul3A_161 = arith.mulf %mul3A_160, %div3A_150 : vector<16xf32>
        %add3A_162 = arith.constant 1.000000e-03 : f32
        %add3A_163 = vector.broadcast %add3A_162 : f32 to vector<16xf32>
        %add3A_164 = arith.addf %add3A_163, %mul3A_161 : vector<16xf32>
        %mul3A_165 = arith.constant 0.991999983 : f32
        %mul3A_166 = vector.broadcast %mul3A_165 : f32 to vector<16xf32>
        %mul3A_167 = arith.mulf %mul3A_166, %exp3A_131 : vector<16xf32>
        %mul3A_168 = arith.mulf %mul3A_167, %div3A_150 : vector<16xf32>
        %add3A_169 = arith.constant 1.000000e-03 : f32
        %add3A_170 = vector.broadcast %add3A_169 : f32 to vector<16xf32>
        %add3A_171 = arith.addf %add3A_170, %mul3A_168 : vector<16xf32>
        %mul3A_172 = arith.constant 0.991999983 : f32
        %mul3A_173 = vector.broadcast %mul3A_172 : f32 to vector<16xf32>
        %mul3A_174 = arith.mulf %mul3A_173, %exp3A_133 : vector<16xf32>
        %mul3A_175 = arith.mulf %mul3A_174, %div3A_150 : vector<16xf32>
        %add3A_176 = arith.constant 1.000000e-03 : f32
        %add3A_177 = vector.broadcast %add3A_176 : f32 to vector<16xf32>
        %add3A_178 = arith.addf %add3A_177, %mul3A_175 : vector<16xf32>
        %mul3A_179 = arith.constant 0.991999983 : f32
        %mul3A_180 = vector.broadcast %mul3A_179 : f32 to vector<16xf32>
        %mul3A_181 = arith.mulf %mul3A_180, %exp3A_135 : vector<16xf32>
        %mul3A_182 = arith.mulf %mul3A_181, %div3A_150 : vector<16xf32>
        %add3A_183 = arith.constant 1.000000e-03 : f32
        %add3A_184 = vector.broadcast %add3A_183 : f32 to vector<16xf32>
        %add3A_185 = arith.addf %add3A_184, %mul3A_182 : vector<16xf32>
        %mul3A_186 = arith.constant 0.991999983 : f32
        %mul3A_187 = vector.broadcast %mul3A_186 : f32 to vector<16xf32>
        %mul3A_188 = arith.mulf %mul3A_187, %exp3A_137 : vector<16xf32>
        %mul3A_189 = arith.mulf %mul3A_188, %div3A_150 : vector<16xf32>
        %add3A_190 = arith.constant 1.000000e-03 : f32
        %add3A_191 = vector.broadcast %add3A_190 : f32 to vector<16xf32>
        %add3A_192 = arith.addf %add3A_191, %mul3A_189 : vector<16xf32>
        %mul3A_193 = arith.constant 0.991999983 : f32
        %mul3A_194 = vector.broadcast %mul3A_193 : f32 to vector<16xf32>
        %mul3A_195 = arith.mulf %mul3A_194, %exp3A_139 : vector<16xf32>
        %mul3A_196 = arith.mulf %mul3A_195, %div3A_150 : vector<16xf32>
        %add3A_197 = arith.constant 1.000000e-03 : f32
        %add3A_198 = vector.broadcast %add3A_197 : f32 to vector<16xf32>
        %add3A_199 = arith.addf %add3A_198, %mul3A_196 : vector<16xf32>
        %mul3A_200 = arith.constant 0.991999983 : f32
        %mul3A_201 = vector.broadcast %mul3A_200 : f32 to vector<16xf32>
        %mul3A_202 = arith.mulf %mul3A_201, %exp3A_141 : vector<16xf32>
        %mul3A_203 = arith.mulf %mul3A_202, %div3A_150 : vector<16xf32>
        %add3A_204 = arith.constant 1.000000e-03 : f32
        %add3A_205 = vector.broadcast %add3A_204 : f32 to vector<16xf32>
        %add3A_206 = arith.addf %add3A_205, %mul3A_203 : vector<16xf32>
        %max3A_207 = arith.maximumf %gather3A_62, %gather3A_66 : vector<16xf32>
        %max3A_208 = arith.maximumf %max3A_207, %gather3A_70 : vector<16xf32>
        %max3A_209 = arith.maximumf %max3A_208, %gather3A_74 : vector<16xf32>
        %max3A_210 = arith.maximumf %max3A_209, %gather3A_78 : vector<16xf32>
        %max3A_211 = arith.maximumf %max3A_210, %gather3A_82 : vector<16xf32>
        %max3A_212 = arith.maximumf %max3A_211, %gather3A_86 : vector<16xf32>
        %max3A_213 = arith.maximumf %max3A_212, %gather3A_90 : vector<16xf32>
        %sub3A_214 = arith.subf %gather3A_62, %max3A_213 : vector<16xf32>
        %exp3A_215 = math.exp %sub3A_214 : vector<16xf32>
        %sub3A_216 = arith.subf %gather3A_66, %max3A_213 : vector<16xf32>
        %exp3A_217 = math.exp %sub3A_216 : vector<16xf32>
        %sub3A_218 = arith.subf %gather3A_70, %max3A_213 : vector<16xf32>
        %exp3A_219 = math.exp %sub3A_218 : vector<16xf32>
        %sub3A_220 = arith.subf %gather3A_74, %max3A_213 : vector<16xf32>
        %exp3A_221 = math.exp %sub3A_220 : vector<16xf32>
        %sub3A_222 = arith.subf %gather3A_78, %max3A_213 : vector<16xf32>
        %exp3A_223 = math.exp %sub3A_222 : vector<16xf32>
        %sub3A_224 = arith.subf %gather3A_82, %max3A_213 : vector<16xf32>
        %exp3A_225 = math.exp %sub3A_224 : vector<16xf32>
        %sub3A_226 = arith.subf %gather3A_86, %max3A_213 : vector<16xf32>
        %exp3A_227 = math.exp %sub3A_226 : vector<16xf32>
        %sub3A_228 = arith.subf %gather3A_90, %max3A_213 : vector<16xf32>
        %exp3A_229 = math.exp %sub3A_228 : vector<16xf32>
        %add3A_230 = arith.addf %exp3A_215, %exp3A_217 : vector<16xf32>
        %add3A_231 = arith.addf %add3A_230, %exp3A_219 : vector<16xf32>
        %add3A_232 = arith.addf %add3A_231, %exp3A_221 : vector<16xf32>
        %add3A_233 = arith.addf %add3A_232, %exp3A_223 : vector<16xf32>
        %add3A_234 = arith.addf %add3A_233, %exp3A_225 : vector<16xf32>
        %add3A_235 = arith.addf %add3A_234, %exp3A_227 : vector<16xf32>
        %add3A_236 = arith.addf %add3A_235, %exp3A_229 : vector<16xf32>
        %div3A_237 = arith.constant 1.000000e+00 : f32
        %div3A_238 = vector.broadcast %div3A_237 : f32 to vector<16xf32>
        %div3A_239 = arith.divf %div3A_238, %add3A_236 : vector<16xf32>
        %mul3A_240 = arith.constant 0.991999983 : f32
        %mul3A_241 = vector.broadcast %mul3A_240 : f32 to vector<16xf32>
        %mul3A_242 = arith.mulf %mul3A_241, %exp3A_215 : vector<16xf32>
        %mul3A_243 = arith.mulf %mul3A_242, %div3A_239 : vector<16xf32>
        %add3A_244 = arith.constant 1.000000e-03 : f32
        %add3A_245 = vector.broadcast %add3A_244 : f32 to vector<16xf32>
        %add3A_246 = arith.addf %add3A_245, %mul3A_243 : vector<16xf32>
        %mul3A_247 = arith.constant 0.991999983 : f32
        %mul3A_248 = vector.broadcast %mul3A_247 : f32 to vector<16xf32>
        %mul3A_249 = arith.mulf %mul3A_248, %exp3A_217 : vector<16xf32>
        %mul3A_250 = arith.mulf %mul3A_249, %div3A_239 : vector<16xf32>
        %add3A_251 = arith.constant 1.000000e-03 : f32
        %add3A_252 = vector.broadcast %add3A_251 : f32 to vector<16xf32>
        %add3A_253 = arith.addf %add3A_252, %mul3A_250 : vector<16xf32>
        %mul3A_254 = arith.constant 0.991999983 : f32
        %mul3A_255 = vector.broadcast %mul3A_254 : f32 to vector<16xf32>
        %mul3A_256 = arith.mulf %mul3A_255, %exp3A_219 : vector<16xf32>
        %mul3A_257 = arith.mulf %mul3A_256, %div3A_239 : vector<16xf32>
        %add3A_258 = arith.constant 1.000000e-03 : f32
        %add3A_259 = vector.broadcast %add3A_258 : f32 to vector<16xf32>
        %add3A_260 = arith.addf %add3A_259, %mul3A_257 : vector<16xf32>
        %mul3A_261 = arith.constant 0.991999983 : f32
        %mul3A_262 = vector.broadcast %mul3A_261 : f32 to vector<16xf32>
        %mul3A_263 = arith.mulf %mul3A_262, %exp3A_221 : vector<16xf32>
        %mul3A_264 = arith.mulf %mul3A_263, %div3A_239 : vector<16xf32>
        %add3A_265 = arith.constant 1.000000e-03 : f32
        %add3A_266 = vector.broadcast %add3A_265 : f32 to vector<16xf32>
        %add3A_267 = arith.addf %add3A_266, %mul3A_264 : vector<16xf32>
        %mul3A_268 = arith.constant 0.991999983 : f32
        %mul3A_269 = vector.broadcast %mul3A_268 : f32 to vector<16xf32>
        %mul3A_270 = arith.mulf %mul3A_269, %exp3A_223 : vector<16xf32>
        %mul3A_271 = arith.mulf %mul3A_270, %div3A_239 : vector<16xf32>
        %add3A_272 = arith.constant 1.000000e-03 : f32
        %add3A_273 = vector.broadcast %add3A_272 : f32 to vector<16xf32>
        %add3A_274 = arith.addf %add3A_273, %mul3A_271 : vector<16xf32>
        %mul3A_275 = arith.constant 0.991999983 : f32
        %mul3A_276 = vector.broadcast %mul3A_275 : f32 to vector<16xf32>
        %mul3A_277 = arith.mulf %mul3A_276, %exp3A_225 : vector<16xf32>
        %mul3A_278 = arith.mulf %mul3A_277, %div3A_239 : vector<16xf32>
        %add3A_279 = arith.constant 1.000000e-03 : f32
        %add3A_280 = vector.broadcast %add3A_279 : f32 to vector<16xf32>
        %add3A_281 = arith.addf %add3A_280, %mul3A_278 : vector<16xf32>
        %mul3A_282 = arith.constant 0.991999983 : f32
        %mul3A_283 = vector.broadcast %mul3A_282 : f32 to vector<16xf32>
        %mul3A_284 = arith.mulf %mul3A_283, %exp3A_227 : vector<16xf32>
        %mul3A_285 = arith.mulf %mul3A_284, %div3A_239 : vector<16xf32>
        %add3A_286 = arith.constant 1.000000e-03 : f32
        %add3A_287 = vector.broadcast %add3A_286 : f32 to vector<16xf32>
        %add3A_288 = arith.addf %add3A_287, %mul3A_285 : vector<16xf32>
        %mul3A_289 = arith.constant 0.991999983 : f32
        %mul3A_290 = vector.broadcast %mul3A_289 : f32 to vector<16xf32>
        %mul3A_291 = arith.mulf %mul3A_290, %exp3A_229 : vector<16xf32>
        %mul3A_292 = arith.mulf %mul3A_291, %div3A_239 : vector<16xf32>
        %add3A_293 = arith.constant 1.000000e-03 : f32
        %add3A_294 = vector.broadcast %add3A_293 : f32 to vector<16xf32>
        %add3A_295 = arith.addf %add3A_294, %mul3A_292 : vector<16xf32>
        %broadcast_in_dim3A = arith.constant -3.000000e+00 : f32
        %broadcast_in_dim3A_296 = vector.broadcast %broadcast_in_dim3A : f32 to vector<16xf32>
        %mul3A_297 = arith.constant 6.000000e+00 : f32
        %mul3A_298 = vector.broadcast %mul3A_297 : f32 to vector<16xf32>
        %mul3A_299 = arith.mulf %mul3A_298, %add3A_157 : vector<16xf32>
        %sub3A_300 = arith.constant 3.000000e+00 : f32
        %sub3A_301 = vector.broadcast %sub3A_300 : f32 to vector<16xf32>
        %sub3A_302 = arith.subf %mul3A_299, %sub3A_301 : vector<16xf32>
        %add3A_303 = arith.addf %add3A_157, %add3A_164 : vector<16xf32>
        %mul3A_304 = arith.constant 6.000000e+00 : f32
        %mul3A_305 = vector.broadcast %mul3A_304 : f32 to vector<16xf32>
        %mul3A_306 = arith.mulf %mul3A_305, %add3A_303 : vector<16xf32>
        %sub3A_307 = arith.constant 3.000000e+00 : f32
        %sub3A_308 = vector.broadcast %sub3A_307 : f32 to vector<16xf32>
        %sub3A_309 = arith.subf %mul3A_306, %sub3A_308 : vector<16xf32>
        %add3A_310 = arith.addf %add3A_303, %add3A_171 : vector<16xf32>
        %mul3A_311 = arith.constant 6.000000e+00 : f32
        %mul3A_312 = vector.broadcast %mul3A_311 : f32 to vector<16xf32>
        %mul3A_313 = arith.mulf %mul3A_312, %add3A_310 : vector<16xf32>
        %sub3A_314 = arith.constant 3.000000e+00 : f32
        %sub3A_315 = vector.broadcast %sub3A_314 : f32 to vector<16xf32>
        %sub3A_316 = arith.subf %mul3A_313, %sub3A_315 : vector<16xf32>
        %add3A_317 = arith.addf %add3A_310, %add3A_178 : vector<16xf32>
        %mul3A_318 = arith.constant 6.000000e+00 : f32
        %mul3A_319 = vector.broadcast %mul3A_318 : f32 to vector<16xf32>
        %mul3A_320 = arith.mulf %mul3A_319, %add3A_317 : vector<16xf32>
        %sub3A_321 = arith.constant 3.000000e+00 : f32
        %sub3A_322 = vector.broadcast %sub3A_321 : f32 to vector<16xf32>
        %sub3A_323 = arith.subf %mul3A_320, %sub3A_322 : vector<16xf32>
        %add3A_324 = arith.addf %add3A_317, %add3A_185 : vector<16xf32>
        %mul3A_325 = arith.constant 6.000000e+00 : f32
        %mul3A_326 = vector.broadcast %mul3A_325 : f32 to vector<16xf32>
        %mul3A_327 = arith.mulf %mul3A_326, %add3A_324 : vector<16xf32>
        %sub3A_328 = arith.constant 3.000000e+00 : f32
        %sub3A_329 = vector.broadcast %sub3A_328 : f32 to vector<16xf32>
        %sub3A_330 = arith.subf %mul3A_327, %sub3A_329 : vector<16xf32>
        %add3A_331 = arith.addf %add3A_324, %add3A_192 : vector<16xf32>
        %mul3A_332 = arith.constant 6.000000e+00 : f32
        %mul3A_333 = vector.broadcast %mul3A_332 : f32 to vector<16xf32>
        %mul3A_334 = arith.mulf %mul3A_333, %add3A_331 : vector<16xf32>
        %sub3A_335 = arith.constant 3.000000e+00 : f32
        %sub3A_336 = vector.broadcast %sub3A_335 : f32 to vector<16xf32>
        %sub3A_337 = arith.subf %mul3A_334, %sub3A_336 : vector<16xf32>
        %add3A_338 = arith.addf %add3A_331, %add3A_199 : vector<16xf32>
        %mul3A_339 = arith.constant 6.000000e+00 : f32
        %mul3A_340 = vector.broadcast %mul3A_339 : f32 to vector<16xf32>
        %mul3A_341 = arith.mulf %mul3A_340, %add3A_338 : vector<16xf32>
        %sub3A_342 = arith.constant 3.000000e+00 : f32
        %sub3A_343 = vector.broadcast %sub3A_342 : f32 to vector<16xf32>
        %sub3A_344 = arith.subf %mul3A_341, %sub3A_343 : vector<16xf32>
        %add3A_345 = arith.addf %add3A_338, %add3A_206 : vector<16xf32>
        %broadcast_in_dim3A_346 = arith.constant 3.000000e+00 : f32
        %broadcast_in_dim3A_347 = vector.broadcast %broadcast_in_dim3A_346 : f32 to vector<16xf32>
        %broadcast_in_dim3A_348 = arith.constant -3.000000e+00 : f32
        %broadcast_in_dim3A_349 = vector.broadcast %broadcast_in_dim3A_348 : f32 to vector<16xf32>
        %mul3A_350 = arith.constant 6.000000e+00 : f32
        %mul3A_351 = vector.broadcast %mul3A_350 : f32 to vector<16xf32>
        %mul3A_352 = arith.mulf %mul3A_351, %add3A_246 : vector<16xf32>
        %sub3A_353 = arith.constant 3.000000e+00 : f32
        %sub3A_354 = vector.broadcast %sub3A_353 : f32 to vector<16xf32>
        %sub3A_355 = arith.subf %mul3A_352, %sub3A_354 : vector<16xf32>
        %add3A_356 = arith.addf %add3A_246, %add3A_253 : vector<16xf32>
        %mul3A_357 = arith.constant 6.000000e+00 : f32
        %mul3A_358 = vector.broadcast %mul3A_357 : f32 to vector<16xf32>
        %mul3A_359 = arith.mulf %mul3A_358, %add3A_356 : vector<16xf32>
        %sub3A_360 = arith.constant 3.000000e+00 : f32
        %sub3A_361 = vector.broadcast %sub3A_360 : f32 to vector<16xf32>
        %sub3A_362 = arith.subf %mul3A_359, %sub3A_361 : vector<16xf32>
        %add3A_363 = arith.addf %add3A_356, %add3A_260 : vector<16xf32>
        %mul3A_364 = arith.constant 6.000000e+00 : f32
        %mul3A_365 = vector.broadcast %mul3A_364 : f32 to vector<16xf32>
        %mul3A_366 = arith.mulf %mul3A_365, %add3A_363 : vector<16xf32>
        %sub3A_367 = arith.constant 3.000000e+00 : f32
        %sub3A_368 = vector.broadcast %sub3A_367 : f32 to vector<16xf32>
        %sub3A_369 = arith.subf %mul3A_366, %sub3A_368 : vector<16xf32>
        %add3A_370 = arith.addf %add3A_363, %add3A_267 : vector<16xf32>
        %mul3A_371 = arith.constant 6.000000e+00 : f32
        %mul3A_372 = vector.broadcast %mul3A_371 : f32 to vector<16xf32>
        %mul3A_373 = arith.mulf %mul3A_372, %add3A_370 : vector<16xf32>
        %sub3A_374 = arith.constant 3.000000e+00 : f32
        %sub3A_375 = vector.broadcast %sub3A_374 : f32 to vector<16xf32>
        %sub3A_376 = arith.subf %mul3A_373, %sub3A_375 : vector<16xf32>
        %add3A_377 = arith.addf %add3A_370, %add3A_274 : vector<16xf32>
        %mul3A_378 = arith.constant 6.000000e+00 : f32
        %mul3A_379 = vector.broadcast %mul3A_378 : f32 to vector<16xf32>
        %mul3A_380 = arith.mulf %mul3A_379, %add3A_377 : vector<16xf32>
        %sub3A_381 = arith.constant 3.000000e+00 : f32
        %sub3A_382 = vector.broadcast %sub3A_381 : f32 to vector<16xf32>
        %sub3A_383 = arith.subf %mul3A_380, %sub3A_382 : vector<16xf32>
        %add3A_384 = arith.addf %add3A_377, %add3A_281 : vector<16xf32>
        %mul3A_385 = arith.constant 6.000000e+00 : f32
        %mul3A_386 = vector.broadcast %mul3A_385 : f32 to vector<16xf32>
        %mul3A_387 = arith.mulf %mul3A_386, %add3A_384 : vector<16xf32>
        %sub3A_388 = arith.constant 3.000000e+00 : f32
        %sub3A_389 = vector.broadcast %sub3A_388 : f32 to vector<16xf32>
        %sub3A_390 = arith.subf %mul3A_387, %sub3A_389 : vector<16xf32>
        %add3A_391 = arith.addf %add3A_384, %add3A_288 : vector<16xf32>
        %mul3A_392 = arith.constant 6.000000e+00 : f32
        %mul3A_393 = vector.broadcast %mul3A_392 : f32 to vector<16xf32>
        %mul3A_394 = arith.mulf %mul3A_393, %add3A_391 : vector<16xf32>
        %sub3A_395 = arith.constant 3.000000e+00 : f32
        %sub3A_396 = vector.broadcast %sub3A_395 : f32 to vector<16xf32>
        %sub3A_397 = arith.subf %mul3A_394, %sub3A_396 : vector<16xf32>
        %add3A_398 = arith.addf %add3A_391, %add3A_295 : vector<16xf32>
        %broadcast_in_dim3A_399 = arith.constant 3.000000e+00 : f32
        %broadcast_in_dim3A_400 = vector.broadcast %broadcast_in_dim3A_399 : f32 to vector<16xf32>
        %sub3A_401 = arith.subf %sub3A_302, %broadcast_in_dim3A_296 : vector<16xf32>
        %sub3A_402 = arith.subf %sub3A_309, %sub3A_302 : vector<16xf32>
        %sub3A_403 = arith.subf %sub3A_316, %sub3A_309 : vector<16xf32>
        %sub3A_404 = arith.subf %sub3A_323, %sub3A_316 : vector<16xf32>
        %sub3A_405 = arith.subf %sub3A_330, %sub3A_323 : vector<16xf32>
        %sub3A_406 = arith.subf %sub3A_337, %sub3A_330 : vector<16xf32>
        %sub3A_407 = arith.subf %sub3A_344, %sub3A_337 : vector<16xf32>
        %sub3A_408 = arith.subf %broadcast_in_dim3A_347, %sub3A_344 : vector<16xf32>
        %sub3A_409 = arith.subf %sub3A_355, %broadcast_in_dim3A_349 : vector<16xf32>
        %sub3A_410 = arith.subf %sub3A_362, %sub3A_355 : vector<16xf32>
        %sub3A_411 = arith.subf %sub3A_369, %sub3A_362 : vector<16xf32>
        %sub3A_412 = arith.subf %sub3A_376, %sub3A_369 : vector<16xf32>
        %sub3A_413 = arith.subf %sub3A_383, %sub3A_376 : vector<16xf32>
        %sub3A_414 = arith.subf %sub3A_390, %sub3A_383 : vector<16xf32>
        %sub3A_415 = arith.subf %sub3A_397, %sub3A_390 : vector<16xf32>
        %sub3A_416 = arith.subf %broadcast_in_dim3A_400, %sub3A_397 : vector<16xf32>
        %broadcast_in_dim3A_417 = arith.constant 1.000000e+00 : f32
        %broadcast_in_dim3A_418 = vector.broadcast %broadcast_in_dim3A_417 : f32 to vector<16xf32>
        %max3A_419 = arith.constant 0.000000e+00 : f32
        %max3A_420 = vector.broadcast %max3A_419 : f32 to vector<16xf32>
        %max3A_421 = arith.maximumf %gather3A_94, %max3A_420 : vector<16xf32>
        %abs3A = math.absf %gather3A_94 : vector<16xf32>
        %neg3A = arith.constant 0.000000e+00 : f32
        %neg3A_422 = vector.broadcast %neg3A : f32 to vector<16xf32>
        %neg3A_423 = arith.subf %neg3A_422, %abs3A : vector<16xf32>
        %exp3A_424 = math.exp %neg3A_423 : vector<16xf32>
        %add3A_425 = arith.constant 1.000000e+00 : f32
        %add3A_426 = vector.broadcast %add3A_425 : f32 to vector<16xf32>
        %add3A_427 = arith.addf %add3A_426, %exp3A_424 : vector<16xf32>
        %bitcast_convert_type3A = tpu.bitcast %add3A_427 : vector<16xf32> -> vector<16xi32>
        %shift_right_arithmetic3A = arith.constant 23 : i32
        %shift_right_arithmetic3A_428 = vector.broadcast %shift_right_arithmetic3A : i32 to vector<16xi32>
        %shift_right_arithmetic3A_429 = arith.shrsi %bitcast_convert_type3A, %shift_right_arithmetic3A_428 : vector<16xi32>
        %and3A = arith.constant 255 : i32
        %and3A_430 = vector.broadcast %and3A : i32 to vector<16xi32>
        %and3A_431 = arith.andi %shift_right_arithmetic3A_429, %and3A_430 : vector<16xi32>
        %and3A_432 = arith.constant 8388607 : i32
        %and3A_433 = vector.broadcast %and3A_432 : i32 to vector<16xi32>
        %and3A_434 = arith.andi %bitcast_convert_type3A, %and3A_433 : vector<16xi32>
        %or3A = arith.constant 1065353216 : i32
        %or3A_435 = vector.broadcast %or3A : i32 to vector<16xi32>
        %or3A_436 = arith.ori %and3A_434, %or3A_435 : vector<16xi32>
        %bitcast_convert_type3A_437 = tpu.bitcast %or3A_436 : vector<16xi32> -> vector<16xf32>
        %gt3A = arith.constant 1.41421354 : f32
        %gt3A_438 = vector.broadcast %gt3A : f32 to vector<16xf32>
        %gt3A_439 = arith.cmpf ogt, %bitcast_convert_type3A_437, %gt3A_438 : vector<16xf32>
        %mul3A_440 = arith.constant 5.000000e-01 : f32
        %mul3A_441 = vector.broadcast %mul3A_440 : f32 to vector<16xf32>
        %mul3A_442 = arith.mulf %bitcast_convert_type3A_437, %mul3A_441 : vector<16xf32>
        %select_n3A = arith.select %gt3A_439, %mul3A_442, %bitcast_convert_type3A_437 : vector<16xi1>, vector<16xf32>
        %sub3A_443 = arith.constant 126 : i32
        %sub3A_444 = vector.broadcast %sub3A_443 : i32 to vector<16xi32>
        %sub3A_445 = arith.subi %and3A_431, %sub3A_444 : vector<16xi32>
        %sub3A_446 = arith.constant 127 : i32
        %sub3A_447 = vector.broadcast %sub3A_446 : i32 to vector<16xi32>
        %sub3A_448 = arith.subi %and3A_431, %sub3A_447 : vector<16xi32>
        %select_n3A_449 = arith.select %gt3A_439, %sub3A_445, %sub3A_448 : vector<16xi1>, vector<16xi32>
        %convert_element_type3A = arith.sitofp %select_n3A_449 : vector<16xi32> to vector<16xf32>
        %sub3A_450 = arith.constant 1.000000e+00 : f32
        %sub3A_451 = vector.broadcast %sub3A_450 : f32 to vector<16xf32>
        %sub3A_452 = arith.subf %select_n3A, %sub3A_451 : vector<16xf32>
        %add3A_453 = arith.constant 1.000000e+00 : f32
        %add3A_454 = vector.broadcast %add3A_453 : f32 to vector<16xf32>
        %add3A_455 = arith.addf %select_n3A, %add3A_454 : vector<16xf32>
        %div3A_456 = arith.divf %sub3A_452, %add3A_455 : vector<16xf32>
        %mul3A_457 = arith.mulf %div3A_456, %div3A_456 : vector<16xf32>
        %mul3A_458 = arith.constant 2.000000e+00 : f32
        %mul3A_459 = vector.broadcast %mul3A_458 : f32 to vector<16xf32>
        %mul3A_460 = arith.mulf %mul3A_459, %div3A_456 : vector<16xf32>
        %mul3A_461 = arith.constant 0.111111112 : f32
        %mul3A_462 = vector.broadcast %mul3A_461 : f32 to vector<16xf32>
        %mul3A_463 = arith.mulf %mul3A_457, %mul3A_462 : vector<16xf32>
        %add3A_464 = arith.constant 0.142857149 : f32
        %add3A_465 = vector.broadcast %add3A_464 : f32 to vector<16xf32>
        %add3A_466 = arith.addf %add3A_465, %mul3A_463 : vector<16xf32>
        %mul3A_467 = arith.mulf %mul3A_457, %add3A_466 : vector<16xf32>
        %add3A_468 = arith.constant 2.000000e-01 : f32
        %add3A_469 = vector.broadcast %add3A_468 : f32 to vector<16xf32>
        %add3A_470 = arith.addf %add3A_469, %mul3A_467 : vector<16xf32>
        %mul3A_471 = arith.mulf %mul3A_457, %add3A_470 : vector<16xf32>
        %add3A_472 = arith.constant 0.333333343 : f32
        %add3A_473 = vector.broadcast %add3A_472 : f32 to vector<16xf32>
        %add3A_474 = arith.addf %add3A_473, %mul3A_471 : vector<16xf32>
        %mul3A_475 = arith.mulf %mul3A_457, %add3A_474 : vector<16xf32>
        %add3A_476 = arith.constant 1.000000e+00 : f32
        %add3A_477 = vector.broadcast %add3A_476 : f32 to vector<16xf32>
        %add3A_478 = arith.addf %add3A_477, %mul3A_475 : vector<16xf32>
        %mul3A_479 = arith.mulf %mul3A_460, %add3A_478 : vector<16xf32>
        %mul3A_480 = arith.constant 0.693147182 : f32
        %mul3A_481 = vector.broadcast %mul3A_480 : f32 to vector<16xf32>
        %mul3A_482 = arith.mulf %convert_element_type3A, %mul3A_481 : vector<16xf32>
        %add3A_483 = arith.addf %mul3A_482, %mul3A_479 : vector<16xf32>
        %add3A_484 = arith.addf %max3A_421, %add3A_483 : vector<16xf32>
        %add3A_485 = arith.constant 1.000000e-03 : f32
        %add3A_486 = vector.broadcast %add3A_485 : f32 to vector<16xf32>
        %add3A_487 = arith.addf %add3A_486, %add3A_484 : vector<16xf32>
        %max3A_488 = arith.constant 0.000000e+00 : f32
        %max3A_489 = vector.broadcast %max3A_488 : f32 to vector<16xf32>
        %max3A_490 = arith.maximumf %gather3A_98, %max3A_489 : vector<16xf32>
        %abs3A_491 = math.absf %gather3A_98 : vector<16xf32>
        %neg3A_492 = arith.constant 0.000000e+00 : f32
        %neg3A_493 = vector.broadcast %neg3A_492 : f32 to vector<16xf32>
        %neg3A_494 = arith.subf %neg3A_493, %abs3A_491 : vector<16xf32>
        %exp3A_495 = math.exp %neg3A_494 : vector<16xf32>
        %add3A_496 = arith.constant 1.000000e+00 : f32
        %add3A_497 = vector.broadcast %add3A_496 : f32 to vector<16xf32>
        %add3A_498 = arith.addf %add3A_497, %exp3A_495 : vector<16xf32>
        %bitcast_convert_type3A_499 = tpu.bitcast %add3A_498 : vector<16xf32> -> vector<16xi32>
        %shift_right_arithmetic3A_500 = arith.constant 23 : i32
        %shift_right_arithmetic3A_501 = vector.broadcast %shift_right_arithmetic3A_500 : i32 to vector<16xi32>
        %shift_right_arithmetic3A_502 = arith.shrsi %bitcast_convert_type3A_499, %shift_right_arithmetic3A_501 : vector<16xi32>
        %and3A_503 = arith.constant 255 : i32
        %and3A_504 = vector.broadcast %and3A_503 : i32 to vector<16xi32>
        %and3A_505 = arith.andi %shift_right_arithmetic3A_502, %and3A_504 : vector<16xi32>
        %and3A_506 = arith.constant 8388607 : i32
        %and3A_507 = vector.broadcast %and3A_506 : i32 to vector<16xi32>
        %and3A_508 = arith.andi %bitcast_convert_type3A_499, %and3A_507 : vector<16xi32>
        %or3A_509 = arith.constant 1065353216 : i32
        %or3A_510 = vector.broadcast %or3A_509 : i32 to vector<16xi32>
        %or3A_511 = arith.ori %and3A_508, %or3A_510 : vector<16xi32>
        %bitcast_convert_type3A_512 = tpu.bitcast %or3A_511 : vector<16xi32> -> vector<16xf32>
        %gt3A_513 = arith.constant 1.41421354 : f32
        %gt3A_514 = vector.broadcast %gt3A_513 : f32 to vector<16xf32>
        %gt3A_515 = arith.cmpf ogt, %bitcast_convert_type3A_512, %gt3A_514 : vector<16xf32>
        %mul3A_516 = arith.constant 5.000000e-01 : f32
        %mul3A_517 = vector.broadcast %mul3A_516 : f32 to vector<16xf32>
        %mul3A_518 = arith.mulf %bitcast_convert_type3A_512, %mul3A_517 : vector<16xf32>
        %select_n3A_519 = arith.select %gt3A_515, %mul3A_518, %bitcast_convert_type3A_512 : vector<16xi1>, vector<16xf32>
        %sub3A_520 = arith.constant 126 : i32
        %sub3A_521 = vector.broadcast %sub3A_520 : i32 to vector<16xi32>
        %sub3A_522 = arith.subi %and3A_505, %sub3A_521 : vector<16xi32>
        %sub3A_523 = arith.constant 127 : i32
        %sub3A_524 = vector.broadcast %sub3A_523 : i32 to vector<16xi32>
        %sub3A_525 = arith.subi %and3A_505, %sub3A_524 : vector<16xi32>
        %select_n3A_526 = arith.select %gt3A_515, %sub3A_522, %sub3A_525 : vector<16xi1>, vector<16xi32>
        %convert_element_type3A_527 = arith.sitofp %select_n3A_526 : vector<16xi32> to vector<16xf32>
        %sub3A_528 = arith.constant 1.000000e+00 : f32
        %sub3A_529 = vector.broadcast %sub3A_528 : f32 to vector<16xf32>
        %sub3A_530 = arith.subf %select_n3A_519, %sub3A_529 : vector<16xf32>
        %add3A_531 = arith.constant 1.000000e+00 : f32
        %add3A_532 = vector.broadcast %add3A_531 : f32 to vector<16xf32>
        %add3A_533 = arith.addf %select_n3A_519, %add3A_532 : vector<16xf32>
        %div3A_534 = arith.divf %sub3A_530, %add3A_533 : vector<16xf32>
        %mul3A_535 = arith.mulf %div3A_534, %div3A_534 : vector<16xf32>
        %mul3A_536 = arith.constant 2.000000e+00 : f32
        %mul3A_537 = vector.broadcast %mul3A_536 : f32 to vector<16xf32>
        %mul3A_538 = arith.mulf %mul3A_537, %div3A_534 : vector<16xf32>
        %mul3A_539 = arith.constant 0.111111112 : f32
        %mul3A_540 = vector.broadcast %mul3A_539 : f32 to vector<16xf32>
        %mul3A_541 = arith.mulf %mul3A_535, %mul3A_540 : vector<16xf32>
        %add3A_542 = arith.constant 0.142857149 : f32
        %add3A_543 = vector.broadcast %add3A_542 : f32 to vector<16xf32>
        %add3A_544 = arith.addf %add3A_543, %mul3A_541 : vector<16xf32>
        %mul3A_545 = arith.mulf %mul3A_535, %add3A_544 : vector<16xf32>
        %add3A_546 = arith.constant 2.000000e-01 : f32
        %add3A_547 = vector.broadcast %add3A_546 : f32 to vector<16xf32>
        %add3A_548 = arith.addf %add3A_547, %mul3A_545 : vector<16xf32>
        %mul3A_549 = arith.mulf %mul3A_535, %add3A_548 : vector<16xf32>
        %add3A_550 = arith.constant 0.333333343 : f32
        %add3A_551 = vector.broadcast %add3A_550 : f32 to vector<16xf32>
        %add3A_552 = arith.addf %add3A_551, %mul3A_549 : vector<16xf32>
        %mul3A_553 = arith.mulf %mul3A_535, %add3A_552 : vector<16xf32>
        %add3A_554 = arith.constant 1.000000e+00 : f32
        %add3A_555 = vector.broadcast %add3A_554 : f32 to vector<16xf32>
        %add3A_556 = arith.addf %add3A_555, %mul3A_553 : vector<16xf32>
        %mul3A_557 = arith.mulf %mul3A_538, %add3A_556 : vector<16xf32>
        %mul3A_558 = arith.constant 0.693147182 : f32
        %mul3A_559 = vector.broadcast %mul3A_558 : f32 to vector<16xf32>
        %mul3A_560 = arith.mulf %convert_element_type3A_527, %mul3A_559 : vector<16xf32>
        %add3A_561 = arith.addf %mul3A_560, %mul3A_557 : vector<16xf32>
        %add3A_562 = arith.addf %max3A_490, %add3A_561 : vector<16xf32>
        %add3A_563 = arith.constant 1.000000e-03 : f32
        %add3A_564 = vector.broadcast %add3A_563 : f32 to vector<16xf32>
        %add3A_565 = arith.addf %add3A_564, %add3A_562 : vector<16xf32>
        %max3A_566 = arith.constant 0.000000e+00 : f32
        %max3A_567 = vector.broadcast %max3A_566 : f32 to vector<16xf32>
        %max3A_568 = arith.maximumf %gather3A_102, %max3A_567 : vector<16xf32>
        %abs3A_569 = math.absf %gather3A_102 : vector<16xf32>
        %neg3A_570 = arith.constant 0.000000e+00 : f32
        %neg3A_571 = vector.broadcast %neg3A_570 : f32 to vector<16xf32>
        %neg3A_572 = arith.subf %neg3A_571, %abs3A_569 : vector<16xf32>
        %exp3A_573 = math.exp %neg3A_572 : vector<16xf32>
        %add3A_574 = arith.constant 1.000000e+00 : f32
        %add3A_575 = vector.broadcast %add3A_574 : f32 to vector<16xf32>
        %add3A_576 = arith.addf %add3A_575, %exp3A_573 : vector<16xf32>
        %bitcast_convert_type3A_577 = tpu.bitcast %add3A_576 : vector<16xf32> -> vector<16xi32>
        %shift_right_arithmetic3A_578 = arith.constant 23 : i32
        %shift_right_arithmetic3A_579 = vector.broadcast %shift_right_arithmetic3A_578 : i32 to vector<16xi32>
        %shift_right_arithmetic3A_580 = arith.shrsi %bitcast_convert_type3A_577, %shift_right_arithmetic3A_579 : vector<16xi32>
        %and3A_581 = arith.constant 255 : i32
        %and3A_582 = vector.broadcast %and3A_581 : i32 to vector<16xi32>
        %and3A_583 = arith.andi %shift_right_arithmetic3A_580, %and3A_582 : vector<16xi32>
        %and3A_584 = arith.constant 8388607 : i32
        %and3A_585 = vector.broadcast %and3A_584 : i32 to vector<16xi32>
        %and3A_586 = arith.andi %bitcast_convert_type3A_577, %and3A_585 : vector<16xi32>
        %or3A_587 = arith.constant 1065353216 : i32
        %or3A_588 = vector.broadcast %or3A_587 : i32 to vector<16xi32>
        %or3A_589 = arith.ori %and3A_586, %or3A_588 : vector<16xi32>
        %bitcast_convert_type3A_590 = tpu.bitcast %or3A_589 : vector<16xi32> -> vector<16xf32>
        %gt3A_591 = arith.constant 1.41421354 : f32
        %gt3A_592 = vector.broadcast %gt3A_591 : f32 to vector<16xf32>
        %gt3A_593 = arith.cmpf ogt, %bitcast_convert_type3A_590, %gt3A_592 : vector<16xf32>
        %mul3A_594 = arith.constant 5.000000e-01 : f32
        %mul3A_595 = vector.broadcast %mul3A_594 : f32 to vector<16xf32>
        %mul3A_596 = arith.mulf %bitcast_convert_type3A_590, %mul3A_595 : vector<16xf32>
        %select_n3A_597 = arith.select %gt3A_593, %mul3A_596, %bitcast_convert_type3A_590 : vector<16xi1>, vector<16xf32>
        %sub3A_598 = arith.constant 126 : i32
        %sub3A_599 = vector.broadcast %sub3A_598 : i32 to vector<16xi32>
        %sub3A_600 = arith.subi %and3A_583, %sub3A_599 : vector<16xi32>
        %sub3A_601 = arith.constant 127 : i32
        %sub3A_602 = vector.broadcast %sub3A_601 : i32 to vector<16xi32>
        %sub3A_603 = arith.subi %and3A_583, %sub3A_602 : vector<16xi32>
        %select_n3A_604 = arith.select %gt3A_593, %sub3A_600, %sub3A_603 : vector<16xi1>, vector<16xi32>
        %convert_element_type3A_605 = arith.sitofp %select_n3A_604 : vector<16xi32> to vector<16xf32>
        %sub3A_606 = arith.constant 1.000000e+00 : f32
        %sub3A_607 = vector.broadcast %sub3A_606 : f32 to vector<16xf32>
        %sub3A_608 = arith.subf %select_n3A_597, %sub3A_607 : vector<16xf32>
        %add3A_609 = arith.constant 1.000000e+00 : f32
        %add3A_610 = vector.broadcast %add3A_609 : f32 to vector<16xf32>
        %add3A_611 = arith.addf %select_n3A_597, %add3A_610 : vector<16xf32>
        %div3A_612 = arith.divf %sub3A_608, %add3A_611 : vector<16xf32>
        %mul3A_613 = arith.mulf %div3A_612, %div3A_612 : vector<16xf32>
        %mul3A_614 = arith.constant 2.000000e+00 : f32
        %mul3A_615 = vector.broadcast %mul3A_614 : f32 to vector<16xf32>
        %mul3A_616 = arith.mulf %mul3A_615, %div3A_612 : vector<16xf32>
        %mul3A_617 = arith.constant 0.111111112 : f32
        %mul3A_618 = vector.broadcast %mul3A_617 : f32 to vector<16xf32>
        %mul3A_619 = arith.mulf %mul3A_613, %mul3A_618 : vector<16xf32>
        %add3A_620 = arith.constant 0.142857149 : f32
        %add3A_621 = vector.broadcast %add3A_620 : f32 to vector<16xf32>
        %add3A_622 = arith.addf %add3A_621, %mul3A_619 : vector<16xf32>
        %mul3A_623 = arith.mulf %mul3A_613, %add3A_622 : vector<16xf32>
        %add3A_624 = arith.constant 2.000000e-01 : f32
        %add3A_625 = vector.broadcast %add3A_624 : f32 to vector<16xf32>
        %add3A_626 = arith.addf %add3A_625, %mul3A_623 : vector<16xf32>
        %mul3A_627 = arith.mulf %mul3A_613, %add3A_626 : vector<16xf32>
        %add3A_628 = arith.constant 0.333333343 : f32
        %add3A_629 = vector.broadcast %add3A_628 : f32 to vector<16xf32>
        %add3A_630 = arith.addf %add3A_629, %mul3A_627 : vector<16xf32>
        %mul3A_631 = arith.mulf %mul3A_613, %add3A_630 : vector<16xf32>
        %add3A_632 = arith.constant 1.000000e+00 : f32
        %add3A_633 = vector.broadcast %add3A_632 : f32 to vector<16xf32>
        %add3A_634 = arith.addf %add3A_633, %mul3A_631 : vector<16xf32>
        %mul3A_635 = arith.mulf %mul3A_616, %add3A_634 : vector<16xf32>
        %mul3A_636 = arith.constant 0.693147182 : f32
        %mul3A_637 = vector.broadcast %mul3A_636 : f32 to vector<16xf32>
        %mul3A_638 = arith.mulf %convert_element_type3A_605, %mul3A_637 : vector<16xf32>
        %add3A_639 = arith.addf %mul3A_638, %mul3A_635 : vector<16xf32>
        %add3A_640 = arith.addf %max3A_568, %add3A_639 : vector<16xf32>
        %add3A_641 = arith.constant 1.000000e-03 : f32
        %add3A_642 = vector.broadcast %add3A_641 : f32 to vector<16xf32>
        %add3A_643 = arith.addf %add3A_642, %add3A_640 : vector<16xf32>
        %max3A_644 = arith.constant 0.000000e+00 : f32
        %max3A_645 = vector.broadcast %max3A_644 : f32 to vector<16xf32>
        %max3A_646 = arith.maximumf %gather3A_106, %max3A_645 : vector<16xf32>
        %abs3A_647 = math.absf %gather3A_106 : vector<16xf32>
        %neg3A_648 = arith.constant 0.000000e+00 : f32
        %neg3A_649 = vector.broadcast %neg3A_648 : f32 to vector<16xf32>
        %neg3A_650 = arith.subf %neg3A_649, %abs3A_647 : vector<16xf32>
        %exp3A_651 = math.exp %neg3A_650 : vector<16xf32>
        %add3A_652 = arith.constant 1.000000e+00 : f32
        %add3A_653 = vector.broadcast %add3A_652 : f32 to vector<16xf32>
        %add3A_654 = arith.addf %add3A_653, %exp3A_651 : vector<16xf32>
        %bitcast_convert_type3A_655 = tpu.bitcast %add3A_654 : vector<16xf32> -> vector<16xi32>
        %shift_right_arithmetic3A_656 = arith.constant 23 : i32
        %shift_right_arithmetic3A_657 = vector.broadcast %shift_right_arithmetic3A_656 : i32 to vector<16xi32>
        %shift_right_arithmetic3A_658 = arith.shrsi %bitcast_convert_type3A_655, %shift_right_arithmetic3A_657 : vector<16xi32>
        %and3A_659 = arith.constant 255 : i32
        %and3A_660 = vector.broadcast %and3A_659 : i32 to vector<16xi32>
        %and3A_661 = arith.andi %shift_right_arithmetic3A_658, %and3A_660 : vector<16xi32>
        %and3A_662 = arith.constant 8388607 : i32
        %and3A_663 = vector.broadcast %and3A_662 : i32 to vector<16xi32>
        %and3A_664 = arith.andi %bitcast_convert_type3A_655, %and3A_663 : vector<16xi32>
        %or3A_665 = arith.constant 1065353216 : i32
        %or3A_666 = vector.broadcast %or3A_665 : i32 to vector<16xi32>
        %or3A_667 = arith.ori %and3A_664, %or3A_666 : vector<16xi32>
        %bitcast_convert_type3A_668 = tpu.bitcast %or3A_667 : vector<16xi32> -> vector<16xf32>
        %gt3A_669 = arith.constant 1.41421354 : f32
        %gt3A_670 = vector.broadcast %gt3A_669 : f32 to vector<16xf32>
        %gt3A_671 = arith.cmpf ogt, %bitcast_convert_type3A_668, %gt3A_670 : vector<16xf32>
        %mul3A_672 = arith.constant 5.000000e-01 : f32
        %mul3A_673 = vector.broadcast %mul3A_672 : f32 to vector<16xf32>
        %mul3A_674 = arith.mulf %bitcast_convert_type3A_668, %mul3A_673 : vector<16xf32>
        %select_n3A_675 = arith.select %gt3A_671, %mul3A_674, %bitcast_convert_type3A_668 : vector<16xi1>, vector<16xf32>
        %sub3A_676 = arith.constant 126 : i32
        %sub3A_677 = vector.broadcast %sub3A_676 : i32 to vector<16xi32>
        %sub3A_678 = arith.subi %and3A_661, %sub3A_677 : vector<16xi32>
        %sub3A_679 = arith.constant 127 : i32
        %sub3A_680 = vector.broadcast %sub3A_679 : i32 to vector<16xi32>
        %sub3A_681 = arith.subi %and3A_661, %sub3A_680 : vector<16xi32>
        %select_n3A_682 = arith.select %gt3A_671, %sub3A_678, %sub3A_681 : vector<16xi1>, vector<16xi32>
        %convert_element_type3A_683 = arith.sitofp %select_n3A_682 : vector<16xi32> to vector<16xf32>
        %sub3A_684 = arith.constant 1.000000e+00 : f32
        %sub3A_685 = vector.broadcast %sub3A_684 : f32 to vector<16xf32>
        %sub3A_686 = arith.subf %select_n3A_675, %sub3A_685 : vector<16xf32>
        %add3A_687 = arith.constant 1.000000e+00 : f32
        %add3A_688 = vector.broadcast %add3A_687 : f32 to vector<16xf32>
        %add3A_689 = arith.addf %select_n3A_675, %add3A_688 : vector<16xf32>
        %div3A_690 = arith.divf %sub3A_686, %add3A_689 : vector<16xf32>
        %mul3A_691 = arith.mulf %div3A_690, %div3A_690 : vector<16xf32>
        %mul3A_692 = arith.constant 2.000000e+00 : f32
        %mul3A_693 = vector.broadcast %mul3A_692 : f32 to vector<16xf32>
        %mul3A_694 = arith.mulf %mul3A_693, %div3A_690 : vector<16xf32>
        %mul3A_695 = arith.constant 0.111111112 : f32
        %mul3A_696 = vector.broadcast %mul3A_695 : f32 to vector<16xf32>
        %mul3A_697 = arith.mulf %mul3A_691, %mul3A_696 : vector<16xf32>
        %add3A_698 = arith.constant 0.142857149 : f32
        %add3A_699 = vector.broadcast %add3A_698 : f32 to vector<16xf32>
        %add3A_700 = arith.addf %add3A_699, %mul3A_697 : vector<16xf32>
        %mul3A_701 = arith.mulf %mul3A_691, %add3A_700 : vector<16xf32>
        %add3A_702 = arith.constant 2.000000e-01 : f32
        %add3A_703 = vector.broadcast %add3A_702 : f32 to vector<16xf32>
        %add3A_704 = arith.addf %add3A_703, %mul3A_701 : vector<16xf32>
        %mul3A_705 = arith.mulf %mul3A_691, %add3A_704 : vector<16xf32>
        %add3A_706 = arith.constant 0.333333343 : f32
        %add3A_707 = vector.broadcast %add3A_706 : f32 to vector<16xf32>
        %add3A_708 = arith.addf %add3A_707, %mul3A_705 : vector<16xf32>
        %mul3A_709 = arith.mulf %mul3A_691, %add3A_708 : vector<16xf32>
        %add3A_710 = arith.constant 1.000000e+00 : f32
        %add3A_711 = vector.broadcast %add3A_710 : f32 to vector<16xf32>
        %add3A_712 = arith.addf %add3A_711, %mul3A_709 : vector<16xf32>
        %mul3A_713 = arith.mulf %mul3A_694, %add3A_712 : vector<16xf32>
        %mul3A_714 = arith.constant 0.693147182 : f32
        %mul3A_715 = vector.broadcast %mul3A_714 : f32 to vector<16xf32>
        %mul3A_716 = arith.mulf %convert_element_type3A_683, %mul3A_715 : vector<16xf32>
        %add3A_717 = arith.addf %mul3A_716, %mul3A_713 : vector<16xf32>
        %add3A_718 = arith.addf %max3A_646, %add3A_717 : vector<16xf32>
        %add3A_719 = arith.constant 1.000000e-03 : f32
        %add3A_720 = vector.broadcast %add3A_719 : f32 to vector<16xf32>
        %add3A_721 = arith.addf %add3A_720, %add3A_718 : vector<16xf32>
        %max3A_722 = arith.constant 0.000000e+00 : f32
        %max3A_723 = vector.broadcast %max3A_722 : f32 to vector<16xf32>
        %max3A_724 = arith.maximumf %gather3A_110, %max3A_723 : vector<16xf32>
        %abs3A_725 = math.absf %gather3A_110 : vector<16xf32>
        %neg3A_726 = arith.constant 0.000000e+00 : f32
        %neg3A_727 = vector.broadcast %neg3A_726 : f32 to vector<16xf32>
        %neg3A_728 = arith.subf %neg3A_727, %abs3A_725 : vector<16xf32>
        %exp3A_729 = math.exp %neg3A_728 : vector<16xf32>
        %add3A_730 = arith.constant 1.000000e+00 : f32
        %add3A_731 = vector.broadcast %add3A_730 : f32 to vector<16xf32>
        %add3A_732 = arith.addf %add3A_731, %exp3A_729 : vector<16xf32>
        %bitcast_convert_type3A_733 = tpu.bitcast %add3A_732 : vector<16xf32> -> vector<16xi32>
        %shift_right_arithmetic3A_734 = arith.constant 23 : i32
        %shift_right_arithmetic3A_735 = vector.broadcast %shift_right_arithmetic3A_734 : i32 to vector<16xi32>
        %shift_right_arithmetic3A_736 = arith.shrsi %bitcast_convert_type3A_733, %shift_right_arithmetic3A_735 : vector<16xi32>
        %and3A_737 = arith.constant 255 : i32
        %and3A_738 = vector.broadcast %and3A_737 : i32 to vector<16xi32>
        %and3A_739 = arith.andi %shift_right_arithmetic3A_736, %and3A_738 : vector<16xi32>
        %and3A_740 = arith.constant 8388607 : i32
        %and3A_741 = vector.broadcast %and3A_740 : i32 to vector<16xi32>
        %and3A_742 = arith.andi %bitcast_convert_type3A_733, %and3A_741 : vector<16xi32>
        %or3A_743 = arith.constant 1065353216 : i32
        %or3A_744 = vector.broadcast %or3A_743 : i32 to vector<16xi32>
        %or3A_745 = arith.ori %and3A_742, %or3A_744 : vector<16xi32>
        %bitcast_convert_type3A_746 = tpu.bitcast %or3A_745 : vector<16xi32> -> vector<16xf32>
        %gt3A_747 = arith.constant 1.41421354 : f32
        %gt3A_748 = vector.broadcast %gt3A_747 : f32 to vector<16xf32>
        %gt3A_749 = arith.cmpf ogt, %bitcast_convert_type3A_746, %gt3A_748 : vector<16xf32>
        %mul3A_750 = arith.constant 5.000000e-01 : f32
        %mul3A_751 = vector.broadcast %mul3A_750 : f32 to vector<16xf32>
        %mul3A_752 = arith.mulf %bitcast_convert_type3A_746, %mul3A_751 : vector<16xf32>
        %select_n3A_753 = arith.select %gt3A_749, %mul3A_752, %bitcast_convert_type3A_746 : vector<16xi1>, vector<16xf32>
        %sub3A_754 = arith.constant 126 : i32
        %sub3A_755 = vector.broadcast %sub3A_754 : i32 to vector<16xi32>
        %sub3A_756 = arith.subi %and3A_739, %sub3A_755 : vector<16xi32>
        %sub3A_757 = arith.constant 127 : i32
        %sub3A_758 = vector.broadcast %sub3A_757 : i32 to vector<16xi32>
        %sub3A_759 = arith.subi %and3A_739, %sub3A_758 : vector<16xi32>
        %select_n3A_760 = arith.select %gt3A_749, %sub3A_756, %sub3A_759 : vector<16xi1>, vector<16xi32>
        %convert_element_type3A_761 = arith.sitofp %select_n3A_760 : vector<16xi32> to vector<16xf32>
        %sub3A_762 = arith.constant 1.000000e+00 : f32
        %sub3A_763 = vector.broadcast %sub3A_762 : f32 to vector<16xf32>
        %sub3A_764 = arith.subf %select_n3A_753, %sub3A_763 : vector<16xf32>
        %add3A_765 = arith.constant 1.000000e+00 : f32
        %add3A_766 = vector.broadcast %add3A_765 : f32 to vector<16xf32>
        %add3A_767 = arith.addf %select_n3A_753, %add3A_766 : vector<16xf32>
        %div3A_768 = arith.divf %sub3A_764, %add3A_767 : vector<16xf32>
        %mul3A_769 = arith.mulf %div3A_768, %div3A_768 : vector<16xf32>
        %mul3A_770 = arith.constant 2.000000e+00 : f32
        %mul3A_771 = vector.broadcast %mul3A_770 : f32 to vector<16xf32>
        %mul3A_772 = arith.mulf %mul3A_771, %div3A_768 : vector<16xf32>
        %mul3A_773 = arith.constant 0.111111112 : f32
        %mul3A_774 = vector.broadcast %mul3A_773 : f32 to vector<16xf32>
        %mul3A_775 = arith.mulf %mul3A_769, %mul3A_774 : vector<16xf32>
        %add3A_776 = arith.constant 0.142857149 : f32
        %add3A_777 = vector.broadcast %add3A_776 : f32 to vector<16xf32>
        %add3A_778 = arith.addf %add3A_777, %mul3A_775 : vector<16xf32>
        %mul3A_779 = arith.mulf %mul3A_769, %add3A_778 : vector<16xf32>
        %add3A_780 = arith.constant 2.000000e-01 : f32
        %add3A_781 = vector.broadcast %add3A_780 : f32 to vector<16xf32>
        %add3A_782 = arith.addf %add3A_781, %mul3A_779 : vector<16xf32>
        %mul3A_783 = arith.mulf %mul3A_769, %add3A_782 : vector<16xf32>
        %add3A_784 = arith.constant 0.333333343 : f32
        %add3A_785 = vector.broadcast %add3A_784 : f32 to vector<16xf32>
        %add3A_786 = arith.addf %add3A_785, %mul3A_783 : vector<16xf32>
        %mul3A_787 = arith.mulf %mul3A_769, %add3A_786 : vector<16xf32>
        %add3A_788 = arith.constant 1.000000e+00 : f32
        %add3A_789 = vector.broadcast %add3A_788 : f32 to vector<16xf32>
        %add3A_790 = arith.addf %add3A_789, %mul3A_787 : vector<16xf32>
        %mul3A_791 = arith.mulf %mul3A_772, %add3A_790 : vector<16xf32>
        %mul3A_792 = arith.constant 0.693147182 : f32
        %mul3A_793 = vector.broadcast %mul3A_792 : f32 to vector<16xf32>
        %mul3A_794 = arith.mulf %convert_element_type3A_761, %mul3A_793 : vector<16xf32>
        %add3A_795 = arith.addf %mul3A_794, %mul3A_791 : vector<16xf32>
        %add3A_796 = arith.addf %max3A_724, %add3A_795 : vector<16xf32>
        %add3A_797 = arith.constant 1.000000e-03 : f32
        %add3A_798 = vector.broadcast %add3A_797 : f32 to vector<16xf32>
        %add3A_799 = arith.addf %add3A_798, %add3A_796 : vector<16xf32>
        %max3A_800 = arith.constant 0.000000e+00 : f32
        %max3A_801 = vector.broadcast %max3A_800 : f32 to vector<16xf32>
        %max3A_802 = arith.maximumf %gather3A_114, %max3A_801 : vector<16xf32>
        %abs3A_803 = math.absf %gather3A_114 : vector<16xf32>
        %neg3A_804 = arith.constant 0.000000e+00 : f32
        %neg3A_805 = vector.broadcast %neg3A_804 : f32 to vector<16xf32>
        %neg3A_806 = arith.subf %neg3A_805, %abs3A_803 : vector<16xf32>
        %exp3A_807 = math.exp %neg3A_806 : vector<16xf32>
        %add3A_808 = arith.constant 1.000000e+00 : f32
        %add3A_809 = vector.broadcast %add3A_808 : f32 to vector<16xf32>
        %add3A_810 = arith.addf %add3A_809, %exp3A_807 : vector<16xf32>
        %bitcast_convert_type3A_811 = tpu.bitcast %add3A_810 : vector<16xf32> -> vector<16xi32>
        %shift_right_arithmetic3A_812 = arith.constant 23 : i32
        %shift_right_arithmetic3A_813 = vector.broadcast %shift_right_arithmetic3A_812 : i32 to vector<16xi32>
        %shift_right_arithmetic3A_814 = arith.shrsi %bitcast_convert_type3A_811, %shift_right_arithmetic3A_813 : vector<16xi32>
        %and3A_815 = arith.constant 255 : i32
        %and3A_816 = vector.broadcast %and3A_815 : i32 to vector<16xi32>
        %and3A_817 = arith.andi %shift_right_arithmetic3A_814, %and3A_816 : vector<16xi32>
        %and3A_818 = arith.constant 8388607 : i32
        %and3A_819 = vector.broadcast %and3A_818 : i32 to vector<16xi32>
        %and3A_820 = arith.andi %bitcast_convert_type3A_811, %and3A_819 : vector<16xi32>
        %or3A_821 = arith.constant 1065353216 : i32
        %or3A_822 = vector.broadcast %or3A_821 : i32 to vector<16xi32>
        %or3A_823 = arith.ori %and3A_820, %or3A_822 : vector<16xi32>
        %bitcast_convert_type3A_824 = tpu.bitcast %or3A_823 : vector<16xi32> -> vector<16xf32>
        %gt3A_825 = arith.constant 1.41421354 : f32
        %gt3A_826 = vector.broadcast %gt3A_825 : f32 to vector<16xf32>
        %gt3A_827 = arith.cmpf ogt, %bitcast_convert_type3A_824, %gt3A_826 : vector<16xf32>
        %mul3A_828 = arith.constant 5.000000e-01 : f32
        %mul3A_829 = vector.broadcast %mul3A_828 : f32 to vector<16xf32>
        %mul3A_830 = arith.mulf %bitcast_convert_type3A_824, %mul3A_829 : vector<16xf32>
        %select_n3A_831 = arith.select %gt3A_827, %mul3A_830, %bitcast_convert_type3A_824 : vector<16xi1>, vector<16xf32>
        %sub3A_832 = arith.constant 126 : i32
        %sub3A_833 = vector.broadcast %sub3A_832 : i32 to vector<16xi32>
        %sub3A_834 = arith.subi %and3A_817, %sub3A_833 : vector<16xi32>
        %sub3A_835 = arith.constant 127 : i32
        %sub3A_836 = vector.broadcast %sub3A_835 : i32 to vector<16xi32>
        %sub3A_837 = arith.subi %and3A_817, %sub3A_836 : vector<16xi32>
        %select_n3A_838 = arith.select %gt3A_827, %sub3A_834, %sub3A_837 : vector<16xi1>, vector<16xi32>
        %convert_element_type3A_839 = arith.sitofp %select_n3A_838 : vector<16xi32> to vector<16xf32>
        %sub3A_840 = arith.constant 1.000000e+00 : f32
        %sub3A_841 = vector.broadcast %sub3A_840 : f32 to vector<16xf32>
        %sub3A_842 = arith.subf %select_n3A_831, %sub3A_841 : vector<16xf32>
        %add3A_843 = arith.constant 1.000000e+00 : f32
        %add3A_844 = vector.broadcast %add3A_843 : f32 to vector<16xf32>
        %add3A_845 = arith.addf %select_n3A_831, %add3A_844 : vector<16xf32>
        %div3A_846 = arith.divf %sub3A_842, %add3A_845 : vector<16xf32>
        %mul3A_847 = arith.mulf %div3A_846, %div3A_846 : vector<16xf32>
        %mul3A_848 = arith.constant 2.000000e+00 : f32
        %mul3A_849 = vector.broadcast %mul3A_848 : f32 to vector<16xf32>
        %mul3A_850 = arith.mulf %mul3A_849, %div3A_846 : vector<16xf32>
        %mul3A_851 = arith.constant 0.111111112 : f32
        %mul3A_852 = vector.broadcast %mul3A_851 : f32 to vector<16xf32>
        %mul3A_853 = arith.mulf %mul3A_847, %mul3A_852 : vector<16xf32>
        %add3A_854 = arith.constant 0.142857149 : f32
        %add3A_855 = vector.broadcast %add3A_854 : f32 to vector<16xf32>
        %add3A_856 = arith.addf %add3A_855, %mul3A_853 : vector<16xf32>
        %mul3A_857 = arith.mulf %mul3A_847, %add3A_856 : vector<16xf32>
        %add3A_858 = arith.constant 2.000000e-01 : f32
        %add3A_859 = vector.broadcast %add3A_858 : f32 to vector<16xf32>
        %add3A_860 = arith.addf %add3A_859, %mul3A_857 : vector<16xf32>
        %mul3A_861 = arith.mulf %mul3A_847, %add3A_860 : vector<16xf32>
        %add3A_862 = arith.constant 0.333333343 : f32
        %add3A_863 = vector.broadcast %add3A_862 : f32 to vector<16xf32>
        %add3A_864 = arith.addf %add3A_863, %mul3A_861 : vector<16xf32>
        %mul3A_865 = arith.mulf %mul3A_847, %add3A_864 : vector<16xf32>
        %add3A_866 = arith.constant 1.000000e+00 : f32
        %add3A_867 = vector.broadcast %add3A_866 : f32 to vector<16xf32>
        %add3A_868 = arith.addf %add3A_867, %mul3A_865 : vector<16xf32>
        %mul3A_869 = arith.mulf %mul3A_850, %add3A_868 : vector<16xf32>
        %mul3A_870 = arith.constant 0.693147182 : f32
        %mul3A_871 = vector.broadcast %mul3A_870 : f32 to vector<16xf32>
        %mul3A_872 = arith.mulf %convert_element_type3A_839, %mul3A_871 : vector<16xf32>
        %add3A_873 = arith.addf %mul3A_872, %mul3A_869 : vector<16xf32>
        %add3A_874 = arith.addf %max3A_802, %add3A_873 : vector<16xf32>
        %add3A_875 = arith.constant 1.000000e-03 : f32
        %add3A_876 = vector.broadcast %add3A_875 : f32 to vector<16xf32>
        %add3A_877 = arith.addf %add3A_876, %add3A_874 : vector<16xf32>
        %max3A_878 = arith.constant 0.000000e+00 : f32
        %max3A_879 = vector.broadcast %max3A_878 : f32 to vector<16xf32>
        %max3A_880 = arith.maximumf %gather3A_118, %max3A_879 : vector<16xf32>
        %abs3A_881 = math.absf %gather3A_118 : vector<16xf32>
        %neg3A_882 = arith.constant 0.000000e+00 : f32
        %neg3A_883 = vector.broadcast %neg3A_882 : f32 to vector<16xf32>
        %neg3A_884 = arith.subf %neg3A_883, %abs3A_881 : vector<16xf32>
        %exp3A_885 = math.exp %neg3A_884 : vector<16xf32>
        %add3A_886 = arith.constant 1.000000e+00 : f32
        %add3A_887 = vector.broadcast %add3A_886 : f32 to vector<16xf32>
        %add3A_888 = arith.addf %add3A_887, %exp3A_885 : vector<16xf32>
        %bitcast_convert_type3A_889 = tpu.bitcast %add3A_888 : vector<16xf32> -> vector<16xi32>
        %shift_right_arithmetic3A_890 = arith.constant 23 : i32
        %shift_right_arithmetic3A_891 = vector.broadcast %shift_right_arithmetic3A_890 : i32 to vector<16xi32>
        %shift_right_arithmetic3A_892 = arith.shrsi %bitcast_convert_type3A_889, %shift_right_arithmetic3A_891 : vector<16xi32>
        %and3A_893 = arith.constant 255 : i32
        %and3A_894 = vector.broadcast %and3A_893 : i32 to vector<16xi32>
        %and3A_895 = arith.andi %shift_right_arithmetic3A_892, %and3A_894 : vector<16xi32>
        %and3A_896 = arith.constant 8388607 : i32
        %and3A_897 = vector.broadcast %and3A_896 : i32 to vector<16xi32>
        %and3A_898 = arith.andi %bitcast_convert_type3A_889, %and3A_897 : vector<16xi32>
        %or3A_899 = arith.constant 1065353216 : i32
        %or3A_900 = vector.broadcast %or3A_899 : i32 to vector<16xi32>
        %or3A_901 = arith.ori %and3A_898, %or3A_900 : vector<16xi32>
        %bitcast_convert_type3A_902 = tpu.bitcast %or3A_901 : vector<16xi32> -> vector<16xf32>
        %gt3A_903 = arith.constant 1.41421354 : f32
        %gt3A_904 = vector.broadcast %gt3A_903 : f32 to vector<16xf32>
        %gt3A_905 = arith.cmpf ogt, %bitcast_convert_type3A_902, %gt3A_904 : vector<16xf32>
        %mul3A_906 = arith.constant 5.000000e-01 : f32
        %mul3A_907 = vector.broadcast %mul3A_906 : f32 to vector<16xf32>
        %mul3A_908 = arith.mulf %bitcast_convert_type3A_902, %mul3A_907 : vector<16xf32>
        %select_n3A_909 = arith.select %gt3A_905, %mul3A_908, %bitcast_convert_type3A_902 : vector<16xi1>, vector<16xf32>
        %sub3A_910 = arith.constant 126 : i32
        %sub3A_911 = vector.broadcast %sub3A_910 : i32 to vector<16xi32>
        %sub3A_912 = arith.subi %and3A_895, %sub3A_911 : vector<16xi32>
        %sub3A_913 = arith.constant 127 : i32
        %sub3A_914 = vector.broadcast %sub3A_913 : i32 to vector<16xi32>
        %sub3A_915 = arith.subi %and3A_895, %sub3A_914 : vector<16xi32>
        %select_n3A_916 = arith.select %gt3A_905, %sub3A_912, %sub3A_915 : vector<16xi1>, vector<16xi32>
        %convert_element_type3A_917 = arith.sitofp %select_n3A_916 : vector<16xi32> to vector<16xf32>
        %sub3A_918 = arith.constant 1.000000e+00 : f32
        %sub3A_919 = vector.broadcast %sub3A_918 : f32 to vector<16xf32>
        %sub3A_920 = arith.subf %select_n3A_909, %sub3A_919 : vector<16xf32>
        %add3A_921 = arith.constant 1.000000e+00 : f32
        %add3A_922 = vector.broadcast %add3A_921 : f32 to vector<16xf32>
        %add3A_923 = arith.addf %select_n3A_909, %add3A_922 : vector<16xf32>
        %div3A_924 = arith.divf %sub3A_920, %add3A_923 : vector<16xf32>
        %mul3A_925 = arith.mulf %div3A_924, %div3A_924 : vector<16xf32>
        %mul3A_926 = arith.constant 2.000000e+00 : f32
        %mul3A_927 = vector.broadcast %mul3A_926 : f32 to vector<16xf32>
        %mul3A_928 = arith.mulf %mul3A_927, %div3A_924 : vector<16xf32>
        %mul3A_929 = arith.constant 0.111111112 : f32
        %mul3A_930 = vector.broadcast %mul3A_929 : f32 to vector<16xf32>
        %mul3A_931 = arith.mulf %mul3A_925, %mul3A_930 : vector<16xf32>
        %add3A_932 = arith.constant 0.142857149 : f32
        %add3A_933 = vector.broadcast %add3A_932 : f32 to vector<16xf32>
        %add3A_934 = arith.addf %add3A_933, %mul3A_931 : vector<16xf32>
        %mul3A_935 = arith.mulf %mul3A_925, %add3A_934 : vector<16xf32>
        %add3A_936 = arith.constant 2.000000e-01 : f32
        %add3A_937 = vector.broadcast %add3A_936 : f32 to vector<16xf32>
        %add3A_938 = arith.addf %add3A_937, %mul3A_935 : vector<16xf32>
        %mul3A_939 = arith.mulf %mul3A_925, %add3A_938 : vector<16xf32>
        %add3A_940 = arith.constant 0.333333343 : f32
        %add3A_941 = vector.broadcast %add3A_940 : f32 to vector<16xf32>
        %add3A_942 = arith.addf %add3A_941, %mul3A_939 : vector<16xf32>
        %mul3A_943 = arith.mulf %mul3A_925, %add3A_942 : vector<16xf32>
        %add3A_944 = arith.constant 1.000000e+00 : f32
        %add3A_945 = vector.broadcast %add3A_944 : f32 to vector<16xf32>
        %add3A_946 = arith.addf %add3A_945, %mul3A_943 : vector<16xf32>
        %mul3A_947 = arith.mulf %mul3A_928, %add3A_946 : vector<16xf32>
        %mul3A_948 = arith.constant 0.693147182 : f32
        %mul3A_949 = vector.broadcast %mul3A_948 : f32 to vector<16xf32>
        %mul3A_950 = arith.mulf %convert_element_type3A_917, %mul3A_949 : vector<16xf32>
        %add3A_951 = arith.addf %mul3A_950, %mul3A_947 : vector<16xf32>
        %add3A_952 = arith.addf %max3A_880, %add3A_951 : vector<16xf32>
        %add3A_953 = arith.constant 1.000000e-03 : f32
        %add3A_954 = vector.broadcast %add3A_953 : f32 to vector<16xf32>
        %add3A_955 = arith.addf %add3A_954, %add3A_952 : vector<16xf32>
        %jit3A = arith.constant -3.000000e+00 : f32
        %jit3A_956 = arith.constant 3.000000e+00 : f32
        %max3A_957 = vector.broadcast %jit3A : f32 to vector<16xf32>
        %max3A_958 = arith.maximumf %max3A_957, %get3A_121 : vector<16xf32>
        %min3A = vector.broadcast %jit3A_956 : f32 to vector<16xf32>
        %min3A_959 = arith.minimumf %min3A, %max3A_958 : vector<16xf32>
        %ge3A = arith.cmpf oge, %min3A_959, %sub3A_302 : vector<16xf32>
        %select_n3A_960 = arith.select %ge3A, %sub3A_302, %broadcast_in_dim3A_296 : vector<16xi1>, vector<16xf32>
        %select_n3A_961 = arith.select %ge3A, %sub3A_402, %sub3A_401 : vector<16xi1>, vector<16xf32>
        %select_n3A_962 = arith.select %ge3A, %sub3A_355, %broadcast_in_dim3A_349 : vector<16xi1>, vector<16xf32>
        %select_n3A_963 = arith.select %ge3A, %sub3A_410, %sub3A_409 : vector<16xi1>, vector<16xf32>
        %select_n3A_964 = arith.select %ge3A, %add3A_487, %broadcast_in_dim3A_418 : vector<16xi1>, vector<16xf32>
        %select_n3A_965 = arith.select %ge3A, %add3A_565, %add3A_487 : vector<16xi1>, vector<16xf32>
        %ge3A_966 = arith.cmpf oge, %min3A_959, %sub3A_309 : vector<16xf32>
        %select_n3A_967 = arith.select %ge3A_966, %sub3A_309, %select_n3A_960 : vector<16xi1>, vector<16xf32>
        %select_n3A_968 = arith.select %ge3A_966, %sub3A_403, %select_n3A_961 : vector<16xi1>, vector<16xf32>
        %select_n3A_969 = arith.select %ge3A_966, %sub3A_362, %select_n3A_962 : vector<16xi1>, vector<16xf32>
        %select_n3A_970 = arith.select %ge3A_966, %sub3A_411, %select_n3A_963 : vector<16xi1>, vector<16xf32>
        %select_n3A_971 = arith.select %ge3A_966, %add3A_565, %select_n3A_964 : vector<16xi1>, vector<16xf32>
        %select_n3A_972 = arith.select %ge3A_966, %add3A_643, %select_n3A_965 : vector<16xi1>, vector<16xf32>
        %ge3A_973 = arith.cmpf oge, %min3A_959, %sub3A_316 : vector<16xf32>
        %select_n3A_974 = arith.select %ge3A_973, %sub3A_316, %select_n3A_967 : vector<16xi1>, vector<16xf32>
        %select_n3A_975 = arith.select %ge3A_973, %sub3A_404, %select_n3A_968 : vector<16xi1>, vector<16xf32>
        %select_n3A_976 = arith.select %ge3A_973, %sub3A_369, %select_n3A_969 : vector<16xi1>, vector<16xf32>
        %select_n3A_977 = arith.select %ge3A_973, %sub3A_412, %select_n3A_970 : vector<16xi1>, vector<16xf32>
        %select_n3A_978 = arith.select %ge3A_973, %add3A_643, %select_n3A_971 : vector<16xi1>, vector<16xf32>
        %select_n3A_979 = arith.select %ge3A_973, %add3A_721, %select_n3A_972 : vector<16xi1>, vector<16xf32>
        %ge3A_980 = arith.cmpf oge, %min3A_959, %sub3A_323 : vector<16xf32>
        %select_n3A_981 = arith.select %ge3A_980, %sub3A_323, %select_n3A_974 : vector<16xi1>, vector<16xf32>
        %select_n3A_982 = arith.select %ge3A_980, %sub3A_405, %select_n3A_975 : vector<16xi1>, vector<16xf32>
        %select_n3A_983 = arith.select %ge3A_980, %sub3A_376, %select_n3A_976 : vector<16xi1>, vector<16xf32>
        %select_n3A_984 = arith.select %ge3A_980, %sub3A_413, %select_n3A_977 : vector<16xi1>, vector<16xf32>
        %select_n3A_985 = arith.select %ge3A_980, %add3A_721, %select_n3A_978 : vector<16xi1>, vector<16xf32>
        %select_n3A_986 = arith.select %ge3A_980, %add3A_799, %select_n3A_979 : vector<16xi1>, vector<16xf32>
        %ge3A_987 = arith.cmpf oge, %min3A_959, %sub3A_330 : vector<16xf32>
        %select_n3A_988 = arith.select %ge3A_987, %sub3A_330, %select_n3A_981 : vector<16xi1>, vector<16xf32>
        %select_n3A_989 = arith.select %ge3A_987, %sub3A_406, %select_n3A_982 : vector<16xi1>, vector<16xf32>
        %select_n3A_990 = arith.select %ge3A_987, %sub3A_383, %select_n3A_983 : vector<16xi1>, vector<16xf32>
        %select_n3A_991 = arith.select %ge3A_987, %sub3A_414, %select_n3A_984 : vector<16xi1>, vector<16xf32>
        %select_n3A_992 = arith.select %ge3A_987, %add3A_799, %select_n3A_985 : vector<16xi1>, vector<16xf32>
        %select_n3A_993 = arith.select %ge3A_987, %add3A_877, %select_n3A_986 : vector<16xi1>, vector<16xf32>
        %ge3A_994 = arith.cmpf oge, %min3A_959, %sub3A_337 : vector<16xf32>
        %select_n3A_995 = arith.select %ge3A_994, %sub3A_337, %select_n3A_988 : vector<16xi1>, vector<16xf32>
        %select_n3A_996 = arith.select %ge3A_994, %sub3A_407, %select_n3A_989 : vector<16xi1>, vector<16xf32>
        %select_n3A_997 = arith.select %ge3A_994, %sub3A_390, %select_n3A_990 : vector<16xi1>, vector<16xf32>
        %select_n3A_998 = arith.select %ge3A_994, %sub3A_415, %select_n3A_991 : vector<16xi1>, vector<16xf32>
        %select_n3A_999 = arith.select %ge3A_994, %add3A_877, %select_n3A_992 : vector<16xi1>, vector<16xf32>
        %select_n3A_1000 = arith.select %ge3A_994, %add3A_955, %select_n3A_993 : vector<16xi1>, vector<16xf32>
        %ge3A_1001 = arith.cmpf oge, %min3A_959, %sub3A_344 : vector<16xf32>
        %select_n3A_1002 = arith.select %ge3A_1001, %sub3A_344, %select_n3A_995 : vector<16xi1>, vector<16xf32>
        %select_n3A_1003 = arith.select %ge3A_1001, %sub3A_408, %select_n3A_996 : vector<16xi1>, vector<16xf32>
        %select_n3A_1004 = arith.select %ge3A_1001, %sub3A_397, %select_n3A_997 : vector<16xi1>, vector<16xf32>
        %select_n3A_1005 = arith.select %ge3A_1001, %sub3A_416, %select_n3A_998 : vector<16xi1>, vector<16xf32>
        %select_n3A_1006 = arith.select %ge3A_1001, %add3A_955, %select_n3A_999 : vector<16xi1>, vector<16xf32>
        %select_n3A_1007 = arith.select %ge3A_1001, %broadcast_in_dim3A_418, %select_n3A_1000 : vector<16xi1>, vector<16xf32>
        %div3A_1008 = arith.divf %select_n3A_1005, %select_n3A_1003 : vector<16xf32>
        %sub3A_1009 = arith.subf %min3A_959, %select_n3A_1002 : vector<16xf32>
        %div3A_1010 = arith.divf %sub3A_1009, %select_n3A_1003 : vector<16xf32>
        %sub3A_1011 = arith.constant 1.000000e+00 : f32
        %sub3A_1012 = vector.broadcast %sub3A_1011 : f32 to vector<16xf32>
        %sub3A_1013 = arith.subf %sub3A_1012, %div3A_1010 : vector<16xf32>
        %mul3A_1014 = arith.mulf %div3A_1010, %sub3A_1013 : vector<16xf32>
        %mul3A_1015 = arith.mulf %div3A_1010, %div3A_1010 : vector<16xf32>
        %mul3A_1016 = arith.mulf %div3A_1008, %mul3A_1015 : vector<16xf32>
        %mul3A_1017 = arith.mulf %select_n3A_1006, %mul3A_1014 : vector<16xf32>
        %add3A_1018 = arith.addf %mul3A_1016, %mul3A_1017 : vector<16xf32>
        %mul3A_1019 = arith.mulf %select_n3A_1005, %add3A_1018 : vector<16xf32>
        %add3A_1020 = arith.addf %select_n3A_1006, %select_n3A_1007 : vector<16xf32>
        %mul3A_1021 = arith.constant 2.000000e+00 : f32
        %mul3A_1022 = vector.broadcast %mul3A_1021 : f32 to vector<16xf32>
        %mul3A_1023 = arith.mulf %mul3A_1022, %div3A_1008 : vector<16xf32>
        %sub3A_1024 = arith.subf %add3A_1020, %mul3A_1023 : vector<16xf32>
        %mul3A_1025 = arith.mulf %sub3A_1024, %mul3A_1014 : vector<16xf32>
        %add3A_1026 = arith.addf %div3A_1008, %mul3A_1025 : vector<16xf32>
        %div3A_1027 = arith.divf %mul3A_1019, %add3A_1026 : vector<16xf32>
        %add3A_1028 = arith.addf %select_n3A_1004, %div3A_1027 : vector<16xf32>
        %sub3A_1029 = arith.constant 1.000000e+00 : f32
        %sub3A_1030 = vector.broadcast %sub3A_1029 : f32 to vector<16xf32>
        %sub3A_1031 = arith.subf %sub3A_1030, %div3A_1010 : vector<16xf32>
        %mul3A_1032 = arith.mulf %div3A_1008, %div3A_1008 : vector<16xf32>
        %mul3A_1033 = arith.mulf %select_n3A_1007, %mul3A_1015 : vector<16xf32>
        %mul3A_1034 = arith.constant 2.000000e+00 : f32
        %mul3A_1035 = vector.broadcast %mul3A_1034 : f32 to vector<16xf32>
        %mul3A_1036 = arith.mulf %mul3A_1035, %div3A_1008 : vector<16xf32>
        %mul3A_1037 = arith.mulf %mul3A_1036, %mul3A_1014 : vector<16xf32>
        %add3A_1038 = arith.addf %mul3A_1033, %mul3A_1037 : vector<16xf32>
        %mul3A_1039 = arith.mulf %select_n3A_1006, %sub3A_1031 : vector<16xf32>
        %mul3A_1040 = arith.mulf %mul3A_1039, %sub3A_1031 : vector<16xf32>
        %add3A_1041 = arith.addf %add3A_1038, %mul3A_1040 : vector<16xf32>
        %mul3A_1042 = arith.mulf %mul3A_1032, %add3A_1041 : vector<16xf32>
        %mul3A_1043 = arith.mulf %add3A_1026, %add3A_1026 : vector<16xf32>
        %div3A_1044 = arith.divf %mul3A_1042, %mul3A_1043 : vector<16xf32>
        %bitcast_convert_type3A_1045 = tpu.bitcast %div3A_1044 : vector<16xf32> -> vector<16xi32>
        %shift_right_arithmetic3A_1046 = arith.constant 23 : i32
        %shift_right_arithmetic3A_1047 = vector.broadcast %shift_right_arithmetic3A_1046 : i32 to vector<16xi32>
        %shift_right_arithmetic3A_1048 = arith.shrsi %bitcast_convert_type3A_1045, %shift_right_arithmetic3A_1047 : vector<16xi32>
        %and3A_1049 = arith.constant 255 : i32
        %and3A_1050 = vector.broadcast %and3A_1049 : i32 to vector<16xi32>
        %and3A_1051 = arith.andi %shift_right_arithmetic3A_1048, %and3A_1050 : vector<16xi32>
        %and3A_1052 = arith.constant 8388607 : i32
        %and3A_1053 = vector.broadcast %and3A_1052 : i32 to vector<16xi32>
        %and3A_1054 = arith.andi %bitcast_convert_type3A_1045, %and3A_1053 : vector<16xi32>
        %or3A_1055 = arith.constant 1065353216 : i32
        %or3A_1056 = vector.broadcast %or3A_1055 : i32 to vector<16xi32>
        %or3A_1057 = arith.ori %and3A_1054, %or3A_1056 : vector<16xi32>
        %bitcast_convert_type3A_1058 = tpu.bitcast %or3A_1057 : vector<16xi32> -> vector<16xf32>
        %gt3A_1059 = arith.constant 1.41421354 : f32
        %gt3A_1060 = vector.broadcast %gt3A_1059 : f32 to vector<16xf32>
        %gt3A_1061 = arith.cmpf ogt, %bitcast_convert_type3A_1058, %gt3A_1060 : vector<16xf32>
        %mul3A_1062 = arith.constant 5.000000e-01 : f32
        %mul3A_1063 = vector.broadcast %mul3A_1062 : f32 to vector<16xf32>
        %mul3A_1064 = arith.mulf %bitcast_convert_type3A_1058, %mul3A_1063 : vector<16xf32>
        %select_n3A_1065 = arith.select %gt3A_1061, %mul3A_1064, %bitcast_convert_type3A_1058 : vector<16xi1>, vector<16xf32>
        %sub3A_1066 = arith.constant 126 : i32
        %sub3A_1067 = vector.broadcast %sub3A_1066 : i32 to vector<16xi32>
        %sub3A_1068 = arith.subi %and3A_1051, %sub3A_1067 : vector<16xi32>
        %sub3A_1069 = arith.constant 127 : i32
        %sub3A_1070 = vector.broadcast %sub3A_1069 : i32 to vector<16xi32>
        %sub3A_1071 = arith.subi %and3A_1051, %sub3A_1070 : vector<16xi32>
        %select_n3A_1072 = arith.select %gt3A_1061, %sub3A_1068, %sub3A_1071 : vector<16xi1>, vector<16xi32>
        %convert_element_type3A_1073 = arith.sitofp %select_n3A_1072 : vector<16xi32> to vector<16xf32>
        %sub3A_1074 = arith.constant 1.000000e+00 : f32
        %sub3A_1075 = vector.broadcast %sub3A_1074 : f32 to vector<16xf32>
        %sub3A_1076 = arith.subf %select_n3A_1065, %sub3A_1075 : vector<16xf32>
        %add3A_1077 = arith.constant 1.000000e+00 : f32
        %add3A_1078 = vector.broadcast %add3A_1077 : f32 to vector<16xf32>
        %add3A_1079 = arith.addf %select_n3A_1065, %add3A_1078 : vector<16xf32>
        %div3A_1080 = arith.divf %sub3A_1076, %add3A_1079 : vector<16xf32>
        %mul3A_1081 = arith.mulf %div3A_1080, %div3A_1080 : vector<16xf32>
        %mul3A_1082 = arith.constant 2.000000e+00 : f32
        %mul3A_1083 = vector.broadcast %mul3A_1082 : f32 to vector<16xf32>
        %mul3A_1084 = arith.mulf %mul3A_1083, %div3A_1080 : vector<16xf32>
        %mul3A_1085 = arith.constant 0.111111112 : f32
        %mul3A_1086 = vector.broadcast %mul3A_1085 : f32 to vector<16xf32>
        %mul3A_1087 = arith.mulf %mul3A_1081, %mul3A_1086 : vector<16xf32>
        %add3A_1088 = arith.constant 0.142857149 : f32
        %add3A_1089 = vector.broadcast %add3A_1088 : f32 to vector<16xf32>
        %add3A_1090 = arith.addf %add3A_1089, %mul3A_1087 : vector<16xf32>
        %mul3A_1091 = arith.mulf %mul3A_1081, %add3A_1090 : vector<16xf32>
        %add3A_1092 = arith.constant 2.000000e-01 : f32
        %add3A_1093 = vector.broadcast %add3A_1092 : f32 to vector<16xf32>
        %add3A_1094 = arith.addf %add3A_1093, %mul3A_1091 : vector<16xf32>
        %mul3A_1095 = arith.mulf %mul3A_1081, %add3A_1094 : vector<16xf32>
        %add3A_1096 = arith.constant 0.333333343 : f32
        %add3A_1097 = vector.broadcast %add3A_1096 : f32 to vector<16xf32>
        %add3A_1098 = arith.addf %add3A_1097, %mul3A_1095 : vector<16xf32>
        %mul3A_1099 = arith.mulf %mul3A_1081, %add3A_1098 : vector<16xf32>
        %add3A_1100 = arith.constant 1.000000e+00 : f32
        %add3A_1101 = vector.broadcast %add3A_1100 : f32 to vector<16xf32>
        %add3A_1102 = arith.addf %add3A_1101, %mul3A_1099 : vector<16xf32>
        %mul3A_1103 = arith.mulf %mul3A_1084, %add3A_1102 : vector<16xf32>
        %mul3A_1104 = arith.constant 0.693147182 : f32
        %mul3A_1105 = vector.broadcast %mul3A_1104 : f32 to vector<16xf32>
        %mul3A_1106 = arith.mulf %convert_element_type3A_1073, %mul3A_1105 : vector<16xf32>
        %add3A_1107 = arith.addf %mul3A_1106, %mul3A_1103 : vector<16xf32>
        %ge3A_1108 = arith.constant -3.000000e+00 : f32
        %ge3A_1109 = vector.broadcast %ge3A_1108 : f32 to vector<16xf32>
        %ge3A_1110 = arith.cmpf oge, %get3A_121, %ge3A_1109 : vector<16xf32>
        %le3A = arith.constant 3.000000e+00 : f32
        %le3A_1111 = vector.broadcast %le3A : f32 to vector<16xf32>
        %le3A_1112 = arith.cmpf ole, %get3A_121, %le3A_1111 : vector<16xf32>
        %and3A_1113 = arith.andi %ge3A_1110, %le3A_1112 : vector<16xi1>
        %select_n3A_1114 = arith.select %and3A_1113, %add3A_1028, %get3A_121 : vector<16xi1>, vector<16xf32>
        %mul3A_1115 = arith.constant 16 : i32
        %mul3A_1116 = arith.muli %scan3A_20, %mul3A_1115 : i32
        %swap3A = arith.index_cast %mul3A_1116 : i32 to index
        %swap3A_1117 = tpu.vector_load %arg8[%swap3A] {strides = array<i32>} : memref<2048xf32, #tpu.memory_space<vmem>>, vector<16xf32>,
        tpu.vector_store %arg8[%swap3A], %select_n3A_1114 {strides = array<i32>} : memref<2048xf32, #tpu.memory_space<vmem>>, vector<16xf32>,
        %jit3A_1118 = arith.constant 0.000000e+00 : f32
        %broadcast_in_dim3A_1119 = vector.broadcast %jit3A_1118 : f32 to vector<16xf32>
        %select_n3A_1120 = arith.select %and3A_1113, %add3A_1107, %broadcast_in_dim3A_1119 : vector<16xi1>, vector<16xf32>
        %mul3A_1121 = arith.constant 16 : i32
        %mul3A_1122 = arith.muli %scan3A_20, %mul3A_1121 : i32
        %swap3A_1123 = arith.index_cast %mul3A_1122 : i32 to index
        %swap3A_1124 = tpu.vector_load %arg9[%swap3A_1123] {strides = array<i32>} : memref<2048xf32, #tpu.memory_space<vmem>>, vector<16xf32>,
        tpu.vector_store %arg9[%swap3A_1123], %select_n3A_1120 {strides = array<i32>} : memref<2048xf32, #tpu.memory_space<vmem>>, vector<16xf32>,
      }
      %scan3A_19 = arith.constant 128 : i32
      "tpu.region"() ({
        %run_scoped3A = tpu.sem_alloc : memref<!tpu.dma_semaphore, #tpu.memory_space<semaphore_mem>>
        %dma_start3A = tpu.memref_slice %arg4[%add3A_11] : memref<2097152xf32, #tpu.memory_space<hbm>> -> memref<2048xf32, #tpu.memory_space<hbm>>
        %dma_start3A_20 = tpu.memref_slice %arg4[%add3A_11] : memref<2097152xf32, #tpu.memory_space<hbm>> -> memref<2048xf32, #tpu.memory_space<hbm>>
        tpu.enqueue_dma source(%arg8 : memref<2048xf32, #tpu.memory_space<vmem>>) target(%dma_start3A_20 : memref<2048xf32, #tpu.memory_space<hbm>>) target_semaphore(%run_scoped3A : memref<!tpu.dma_semaphore, #tpu.memory_space<semaphore_mem>>)
        %dma_wait3A = tpu.memref_slice %arg4[%add3A_11] : memref<2097152xf32, #tpu.memory_space<hbm>> -> memref<2048xf32, #tpu.memory_space<hbm>>
        %dma_wait3A_21 = tpu.memref_slice %arg4[%add3A_11] : memref<2097152xf32, #tpu.memory_space<hbm>> -> memref<2048xf32, #tpu.memory_space<hbm>>
        tpu.wait_dma2 semaphore(%run_scoped3A : memref<!tpu.dma_semaphore, #tpu.memory_space<semaphore_mem>>) src(%arg8 : memref<2048xf32, #tpu.memory_space<vmem>>) dst(%dma_wait3A_21 : memref<2048xf32, #tpu.memory_space<hbm>>)
        tpu.yield
      }) : () -> ()
      "tpu.region"() ({
        %run_scoped3A = tpu.sem_alloc : memref<!tpu.dma_semaphore, #tpu.memory_space<semaphore_mem>>
        %dma_start3A = tpu.memref_slice %arg5[%add3A_11] : memref<2097152xf32, #tpu.memory_space<hbm>> -> memref<2048xf32, #tpu.memory_space<hbm>>
        %dma_start3A_20 = tpu.memref_slice %arg5[%add3A_11] : memref<2097152xf32, #tpu.memory_space<hbm>> -> memref<2048xf32, #tpu.memory_space<hbm>>
        tpu.enqueue_dma source(%arg9 : memref<2048xf32, #tpu.memory_space<vmem>>) target(%dma_start3A_20 : memref<2048xf32, #tpu.memory_space<hbm>>) target_semaphore(%run_scoped3A : memref<!tpu.dma_semaphore, #tpu.memory_space<semaphore_mem>>)
        %dma_wait3A = tpu.memref_slice %arg5[%add3A_11] : memref<2097152xf32, #tpu.memory_space<hbm>> -> memref<2048xf32, #tpu.memory_space<hbm>>
        %dma_wait3A_21 = tpu.memref_slice %arg5[%add3A_11] : memref<2097152xf32, #tpu.memory_space<hbm>> -> memref<2048xf32, #tpu.memory_space<hbm>>
        tpu.wait_dma2 semaphore(%run_scoped3A : memref<!tpu.dma_semaphore, #tpu.memory_space<semaphore_mem>>) src(%arg9 : memref<2048xf32, #tpu.memory_space<vmem>>) dst(%dma_wait3A_21 : memref<2048xf32, #tpu.memory_space<hbm>>)
        tpu.yield
      }) : () -> ()
    }
    %scan3A_7 = arith.constant 32 : i32
    return
  }
}

</mosaic_0001>

<sc_bundles>
// kernel: kernel.3.cloned.1.call-start
scs
__scs_entry_jumppad:
0x0: {  	(pc) =	sbr.rel $0x88, $3  }
0x1: {  	(tag) =	ssettag $0x0;
	lr =	simm.s32 $0x1  }
0x2: {  	[smem:$0x3F9F] =	sst lr;
	_ =	strace $0xD0000000  }
0x3: {  	_ = 	snop  }
0x4: {  	_ = 	snop  }
0x5: {  	_ = 	snop  }
0x6: {  	_ = 	snop  }
0x7: {  	_ = 	snop  }
__scs_overlays_trampoline_lowered:
0x8: {  	[smem:$0x3FAE] =	sst s0  }
0x9: {  	[smem:$0x3FAF] =	sst s1  }
0xa: {  	[smem:$0x3FB0] =	sst s2  }
0xb: {  	[smem:$0x3FB1] =	sst s3  }
0xc: {  	[smem:$0x3FB2] =	sst s4  }
0xd: {  	[smem:$0x3FB3] =	sst s5  }
0xe: {  	[smem:$0x3FB4] =	sst s6  }
0xf: {  	[smem:$0x3FB5] =	sst s7  }
0x10: {  	[smem:$0x3FB6] =	sst s8  }
0x11: {  	[smem:$0x3FB7] =	sst s9;
	s0 =	simm.s32 @!p0 $0x0  }
0x12: {  	s1 =	sld [smem:$0x3F9D];
	s0 =	simm.s32 @p0 $0x1  }
0x13: {  	[smem:$0x3FB8] =	sst s0;
	s0 =	simm.s32 @!p1 $0x0  }
0x14: {  	s2 =	sld [smem:$0x3F9C];
	s0 =	simm.s32 @p1 $0x1  }
0x15: {  	[smem:$0x3FB9] =	sst s0;
	s0 =	simm.s32 @!p2 $0x0  }
0x16: {  	s3 =	sld [smem:$0x3FDB];
	s0 =	simm.s32 @p2 $0x1  }
0x17: {  	s4 =	simm.s32 $0x1BF5;
	[smem:$0x3FBB] =	sst s0  }
0x18: {  	s0 =	sld [smem:$0x3F9E];
	_ =	swait.ge [sflag:s4], $0x0  }
0x19: {  	s7 =	sld [smem:$0x3F9F]  }
0x1a: {  	s8 =	sadd.s32 $0xFFFFE003, lr  }
0x1b: {  	s9 =	sadd.s32 $0xFFFFFEF7, lr;
	s5 =	simm.s32 $0xFFFFFFFF;
	p2 =	slt.u32 s8, $0xFFFFF086  }
0x1c: {  	p1 =	slt.u32 s9, $0xF7A;
	s5 =	simm.s32 @!p2 $0x0  }
0x1d: {  	s5 =	simm.s32 @p1 $0x1;
	p0 =	seq.s32 s7, s2  }
0x1e: {  	s7 =	smul.u32 @!p0 $0xF7A, s2;
	p2 =	seq.s32 @!p0 s5, $0x0  }
0x1f: {  	s9 =	smul.u32 $0xF7A, s1;
	s8 =	simm.s32 @!p0 $0x1BF5;
	p2 =	por !p2, p0  }
0x20: {  	[sflag:s8] =	ssyncset.s32 @!p0 $0xFFFFF086;
	s6 =	sadd.s32 @!p0 s3, s7;
	s7 =	simm.s32 @!p0 $0x108  }
0x21: {  	s3 =	sadd.s32 s3, s9;
	s6 =	sadd.s32 @!p0 $0x88, s6;
	s7 =	simm.s32 @p2 $0x1082  }
0x22: {  	[simem:s7], [sflag:s8] =	dma.local @!p0 [hbm:s6], $0xF7A  }
0x23: {  	s9 =	sor.u32 $0xD0000000, s2;
	s6 =	simm.s32 $0x108;
	_ =	swait.ge @!p0 [sflag:s8], $0x0  }
0x24: {  	s3 =	sadd.s32 $0x88, s3;
	s6 =	simm.s32 @!p1 $0x1082;
	[sflag:s4] =	ssyncset.s32 $0xFFFFF086  }
0x25: {  	[simem:s6], [sflag:s4] =	dma.local [hbm:s3], $0xF7A  }
0x26: {  	[smem:$0x3F9F] =	sst s1;
	(tag) =	ssettag s2;
	_ =	strace s9  }
0x27: {  	s1 =	sld [smem:$0x3FAF]  }
0x28: {  	s2 =	sld [smem:$0x3FB0]  }
0x29: {  	s4 =	sld [smem:$0x3FB2]  }
0x2a: {  	p0 =	seq.s32 s5, $0x0;
	s5 =	sld [smem:$0x3FB3]  }
0x2b: {  	s6 =	sld [smem:$0x3FB4]  }
0x2c: {  	s7 =	sld [smem:$0x3FB5]  }
0x2d: {  	s3 =	simm.s32 $0x108;
	s8 =	sld [smem:$0x3FB6]  }
0x2e: {  	s3 =	simm.s32 @!p0 $0x1082;
	s9 =	sld [smem:$0x3FB7]  }
0x2f: {  	lr =	sadd.s32 s0, s3;
	s0 =	sld [smem:$0x3FAE]  }
0x30: {  	s3 =	sld [smem:$0x3FB1]  }
0x31: {  	[smem:$0x3FBA] =	sst s10  }
0x32: {  	s10 =	sld [smem:$0x3FB8];
	_ =	sdelay $0x3  }
0x33: {  	p0 =	seq.s32 s10, $0x1;
	s10 =	sld [smem:$0x3FBA];
	_ =	sdelay $0x3  }
0x34: {  	[smem:$0x3FBA] =	sst s10  }
0x35: {  	s10 =	sld [smem:$0x3FB9];
	_ =	sdelay $0x3  }
0x36: {  	p1 =	seq.s32 s10, $0x1;
	s10 =	sld [smem:$0x3FBA];
	_ =	sdelay $0x3  }
0x37: {  	[smem:$0x3FBA] =	sst s10  }
0x38: {  	s10 =	sld [smem:$0x3FBB]  }
0x39: {  	_ = 	snop;
	(pc) =	sbr.ind lr, $3  }
0x3a: {  	_ = 	snop  }
0x3b: {  	_ = 	snop  }
0x3c: {  	p2 =	seq.s32 s10, $0x1;
	s10 =	sld [smem:$0x3FBA]  }
0x3d: {  	_ =	shalt  }
0x3e: {  	_ =	shalt  }
0x3f: {  	_ =	shalt  }
0x40: {  	_ =	shalt  }
0x41: {  	_ =	shalt  }
0x42: {  	_ =	shalt  }
0x43: {  	_ =	shalt  }
0x44: {  	_ =	shalt  }
0x45: {  	_ =	shalt  }
0x46: {  	_ =	shalt  }
0x47: {  	_ =	shalt  }
0x48: {  	_ =	shalt  }
0x49: {  	_ =	shalt  }
0x4a: {  	_ =	shalt  }
0x4b: {  	_ =	shalt  }
0x4c: {  	_ =	shalt  }
0x4d: {  	_ =	shalt  }
0x4e: {  	_ =	shalt  }
0x4f: {  	_ =	shalt  }
0x50: {  	_ =	shalt  }
0x51: {  	_ =	shalt  }
0x52: {  	_ =	shalt  }
0x53: {  	_ =	shalt  }
0x54: {  	_ =	shalt  }
0x55: {  	_ =	shalt  }
0x56: {  	_ =	shalt  }
0x57: {  	_ =	shalt  }
0x58: {  	_ =	shalt  }
0x59: {  	_ =	shalt  }
0x5a: {  	_ =	shalt  }
0x5b: {  	_ =	shalt  }
0x5c: {  	_ =	shalt  }
0x5d: {  	_ =	shalt  }
0x5e: {  	_ =	shalt  }
0x5f: {  	_ =	shalt  }
0x60: {  	_ =	shalt  }
0x61: {  	_ =	shalt  }
0x62: {  	_ =	shalt  }
0x63: {  	_ =	shalt  }
0x64: {  	_ =	shalt  }
0x65: {  	_ =	shalt  }
0x66: {  	_ =	shalt  }
0x67: {  	_ =	shalt  }
0x68: {  	_ =	shalt  }
0x69: {  	_ =	shalt  }
0x6a: {  	_ =	shalt  }
0x6b: {  	_ =	shalt  }
0x6c: {  	_ =	shalt  }
0x6d: {  	_ =	shalt  }
0x6e: {  	_ =	shalt  }
0x6f: {  	_ =	shalt  }
0x70: {  	_ =	shalt  }
0x71: {  	_ =	shalt  }
0x72: {  	_ =	shalt  }
0x73: {  	_ =	shalt  }
0x74: {  	_ =	shalt  }
0x75: {  	_ =	shalt  }
0x76: {  	_ =	shalt  }
0x77: {  	_ =	shalt  }
0x78: {  	_ =	shalt  }
0x79: {  	_ =	shalt  }
0x7a: {  	_ =	shalt  }
0x7b: {  	_ =	shalt  }
0x7c: {  	_ =	shalt  }
0x7d: {  	_ =	shalt  }
0x7e: {  	_ =	shalt  }
0x7f: {  	_ =	shalt  }
0x80: {  	_ =	shalt  }
0x81: {  	_ =	shalt  }
0x82: {  	_ =	shalt  }
0x83: {  	_ =	shalt  }
0x84: {  	_ =	shalt  }
0x85: {  	_ =	shalt  }
0x86: {  	_ =	shalt  }
0x87: {  	_ =	shalt  }
.Lfunc_end0:
.L_simem_size_0:
called_computation_lowered:
.L_overlay_start_0:
0x88: {  	s2 =	sld [smem:$0x3FD9]  }
0x89: {  	s3 =	sld [smem:$0x3FFE];
	_ =	sdelay $0x1  }
0x8a: {  	s1 =	srdreg.scid  }
0x8b: {  	s0 =	sand.u32 $0x1, s1  }
0x8c: {  	s14 =	sshll.u32 s0, $0xA;
	s2 =	sadd.s32 s3, s2  }
0x8d: {  	s2 =	sadd.s32 s2, s14  }
0x8e: {  	[smem:$0x3FC6] =	sst s2  }
0x8f: {  	_ = 	snop  }
0x90: {  	s2 =	sld [smem:$0x3FD0];
	_ =	sdelay $0x2  }
0x91: {  	s4 =	simm.s32 $0xA;
	s5 =	simm.s32 $0x10;
	s15 =	sld [smem:$0x3FC8]  }
0x92: {  	[smem:s5], [sflag:s4] =	dma.local [hbm:s2], $0x1  }
0x93: {  	_ =	swait.eq [sflag:s4], $0x1  }
0x94: {  	[sflag:s4] =	ssyncset.done $0x0  }
0x95: {  	s16 =	sld [smem:$0x10];
	[sflag:s4] =	ssyncadd.s32 $0xFFFFFFFF  }
0x96: {  	s17 =	sld [smem:$0x11];
	(tm) =	ssettm $0x1  }
0x97: {  	s18 =	sld [smem:$0x3FFB];
	_ =	sdelay $0x3  }
0x98: {  	_ =	strace s18  }
0x99: {  	s5 =	sld [smem:$0x3FFC];
	_ =	sdelay $0x3  }
0x9a: {  	_ =	strace s5  }
0x9b: {  	s5 =	sld [smem:$0x3FFD];
	_ =	sdelay $0x3  }
0x9c: {  	_ =	strace s5  }
0x9d: {  	_ =	strace $0x8FFFFFFF  }
0x9e: {  	s19 =	sld [smem:$0x3FDB];
	_ =	sdelay $0x1  }
0x9f: {  	s6 =	simm.s32 $_scs_section_size  }
0xa0: {  	s7 =	simm.s32 $_size__tile_overlayer_lowered;
	s8 =	simm.s32 $_tile_overlayer_lowered  }
0xa1: {  	s22 =	simm.s32 $0x1BFF;
	s21 =	sshll.u32 s8, $0x1;
	s5 =	sadd.s32 s6, s19  }
0xa2: {  	s9 =	simm.s32 $0x0;
	s20 =	sshll.u32 s7, $0x1;
	s7 =	sadd.s32 s21, s5  }
0xa3: {  	[timem:s9], [sflag:s22] =	dma.local [hbm:s7], s20  }
0xa4: {  	_ =	swait.ge [sflag:s22], s20  }
0xa5: {  	s6 =	ssub.s32 $0x0, s20;
	[sflag:s22] =	ssyncset.done $0x0  }
0xa6: {  	[sflag:s22] =	ssyncadd.s32 s6;
	_ =	sdelay $0x1  }
0xa7: {  	s23 =	simm.s32 $0x1B8B  }
0xa8: {  	_ =	swait.ge [sflag:s23], $0x1  }
0xa9: {  	[sflag:s23] =	ssyncset.done $0x0  }
0xaa: {  	s25 =	simm.s32 $0x1B8E;
	s24 =	sld [smem:$0x3FFE];
	[sflag:s23] =	ssyncadd.s32 $0xFFFFFFFF  }
0xab: {  	s26 =	simm.s32 $execute0_lowered;
	[smem:$0x3FD2] =	sst s25  }
0xac: {  	s7 =	sshll.u32 s26, $0x1;
	_ =	strace $0x80000046;
	[dreg:$0x1] =	wrdreg $0xFFFFFFFF  }
0xad: {  	s28 =	simm.s32 $_size_execute0_lowered;
	s5 =	sadd.s32 s5, s7;
	[dreg:$0x0] =	wrdreg $0x0  }
0xae: {  	s7 =	sshll.u32 s28, $0x1;
	[dreg:$0x2] =	wrdreg s5  }
0xaf: {  	[dreg:$0x3] =	wrdreg s7  }
0xb0: {  	[dreg:$0x4] =	wrdreg $0xC0  }
0xb1: {  	_ =	task [dreg:s9], $0x5FFFF  }
0xb2: {  	[dreg:$0x1] =	wrdreg $0xFFFFFFFF  }
0xb3: {  	[dreg:$0x0] =	wrdreg $0x60  }
0xb4: {  	[dreg:$0x2] =	wrdreg s24  }
0xb5: {  	[dreg:$0x3] =	wrdreg s15  }
0xb6: {  	[dreg:$0x4] =	wrdreg s16  }
0xb7: {  	[dreg:$0x5] =	wrdreg s17  }
0xb8: {  	[dreg:$0x6] =	wrdreg $0x9  }
0xb9: {  	_ =	task.clear_ibuf [dreg:s9], $0x7FFFF;
	_ =	strace $0x90000046  }
0xba: {  	s29 =	simm.s32 $0x9;
	_ =	strace $0x80000048  }
0xbb: {  	_ =	swait.ge [sflag:s29], $0x1  }
0xbc: {  	[sflag:s29] =	ssyncadd.s32 $0xFFFFFFFF  }
0xbd: {  	_ =	strace $0x90000048  }
0xbe: {  	_ =	sfence  }
0xbf: {  	s30 =	sld [smem:$0x0];
	_ =	sdelay $0x2  }
0xc0: {  	s31 =	sshll.u32 s1, $0xD;
	s1 =	sshrl.u32 s1, $0x2  }
0xc1: {  	s3 =	sand.u32 $0x4000, s31;
	s1 =	sadd.s32 s1, s30  }
0xc2: {  	s0 =	sor.u32 s3, s0;
	s1 =	sshll.u32 s1, $0x11  }
0xc3: {  	s0 =	sor.u32 s1, s0  }
0xc4: {  	s0 =	sadd.s32 $0x8F2B, s0  }
0xc5: {  	[sflag:s0] =	ssyncadd.remote.s32 $0x1  }
0xc6: {  	_ =	sfence.sel $0xFFFF  }
0xc7: {  	[dreg:$0x0] =	wrdreg $0xFFFFFFFF;
	(pc) =	sbr.abs _section_cstart, $3  }
0xc8: {  	[dreg:$0x1] =	wrdreg $0xFFFFFFFF  }
0xc9: {  	_ =	task.clear_ibuf [dreg:s9], $0x2FFFF;
	_ =	strace $0x9FFFFFFF  }
0xca: {  	(tm) =	ssettm $0x7FFFFFFF  }
0xcb: {  	_ =	shalt  }
tec
execute0_lowered:
.L_overlay_start_1:
0x0: {  	(tag) =	ssettag $0x1  }
0x1: {  	s5 =	rddreg [dreg:$0x0];
	v0 =	vlaneseq.u32  }
0x2: {  	s1 =	rddreg [dreg:$0x1];
	v0 =	vmul.u32 $0x19, v0  }
0x3: {  	s2 =	rddreg [dreg:$0x2]  }
0x4: {  	s3 =	rddreg [dreg:$0x3];
	v23 =	vimm.s32 $0xFFFFFF81;
	v1 =	vadd.s32 $0x1, v0  }
0x5: {  	s0 =	rddreg [dreg:$0x4];
	v2 =	vadd.s32 $0x2, v0;
	v3 =	vadd.s32 $0x3, v0;
	v4 =	vadd.s32 $0x4, v0  }
0x6: {  	s4 =	simm.s32 $0x0;
	s6 =	srdreg.scid;
	s10 =	simm.s32 $0xD000;
	v5 =	vadd.s32 $0x5, v0;
	v6 =	vadd.s32 $0x6, v0;
	v7 =	vadd.s32 $0x7, v0  }
0x7: {  	s11 =	simm.s32 $0xD800;
	s12 =	simm.s32 $0x0;
	s7 =	sand.u32 $0x1, s6;
	v8 =	vadd.s32 $0x8, v0;
	v9 =	vadd.s32 $0x9, v0;
	v10 =	vadd.s32 $0xA, v0  }
0x8: {  	[smem:$0x7FF] =	sst s4;
	s6 =	sadd.s32 $0x2000800, s5;
	s8 =	ssub.s32 $0x2, s7;
	v11 =	vadd.s32 $0xB, v0;
	v12 =	vadd.s32 $0xC, v0;
	v13 =	vadd.s32 $0xD, v0  }
0x9: {  	s5 =	stileid.u32;
	_ =	strace $0x80000047;
	s9 =	sshrl.u32 s8, $0x1;
	v14 =	vadd.s32 $0xE, v0;
	v15 =	vadd.s32 $0xF, v0;
	v16 =	vadd.s32 $0x11, v0  }
0xa: {  	s31 =	sshll.u32 s5, $0x11;
	s7 =	sshll.u32 s7, $0x10;
	v17 =	vadd.s32 $0x12, v0;
	v18 =	vadd.s32 $0x13, v0;
	v19 =	vadd.s32 $0x14, v0;
	s8 =	ssub.s32 s8, s9  }
0xb: {  	s7 =	sor.u32 s7, s31;
	v20 =	vadd.s32 $0x15, v0;
	v21 =	vadd.s32 $0x16, v0;
	v22 =	vadd.s32 $0x17, v0;
	s9 =	simm.s32 $0x1;
	s8 =	smax.u32 s8, $0x1  }
.LBB2_1:
0xc: {  	s13 =	simm.s32 $0x0  }
.LBB2_2:
0xd: {  	s14 =	sshll.u32 s13, $0xB  }
0xe: {  	s14 =	sadd.s32 s7, s14  }
0xf: {  	s15 =	smul.u32 $0x19, s14;
	_ =	sdelay $0x1  }
0x10: {  	s15 =	sshrl.u32 s15, $0x3  }
0x11: {  	s16 =	sadd.s32 s6, s15;
	s15 =	simm.s32 $0x0  }
0x12: {  	[tilespmem:s15], [sflag:$0x1] =	stream.linear.gather [hbm4b:s16+s15], $0xC800, $0x38;
	[tilespmem:$0xE000] =	vst v63  }
0x13: {  	_ =	swait.ge [sflag:s9], $0xC800  }
0x14: {  	s14 =	sshrl.u32 s14, $0x3;
	[sflag:s9] =	ssyncset.done $0x0  }
0x15: {  	s17 =	sadd.s32 s1, s14;
	s16 =	simm.s32 $0xC800;
	[sflag:s9] =	ssyncadd.s32 $0xFFFF3800  }
0x16: {  	[tilespmem:s16], [sflag:$0x1] =	stream.linear.gather [hbm4b:s17+s15], $0x800, $0x38;
	[tilespmem:$0xE000] =	vst v63  }
0x17: {  	_ =	swait.ge [sflag:s9], $0x800  }
0x18: {  	[sflag:s9] =	ssyncset.done $0x0  }
0x19: {  	s18 =	simm.s32 $0xD800;
	s17 =	simm.s32 $0xD000;
	[sflag:s9] =	ssyncadd.s32 $0xFFFFF800  }
.LBB2_3:
0x1a: {  	v24 =	vmov s15  }
0x1b: {  	v24 =	vmul.u32 $0x19, v24;
	_ =	sdelay $0x1  }
0x1c: {  	v25 =	vbroadcast v24, $0x0;
	_ =	sdelay $0x1  }
0x1d: {  	v24 =	vadd.s32 v0, v25  }
0x1e: {  	v26 =	vadd.s32 v1, v25  }
0x1f: {  	v27 =	vadd.s32 v2, v25  }
0x20: {  	v28 =	vadd.s32 v3, v25  }
0x21: {  	v29 =	vadd.s32 v4, v25  }
0x22: {  	v30 =	vadd.s32 v5, v25;
	v24 =	vld.idx.msk [tilespmem:v24+s4+$0x0], $0xffff  }
0x23: {  	v31 =	vadd.s32 v6, v25;
	v26 =	vld.idx.msk [tilespmem:v26+s4+$0x0], $0xffff  }
0x24: {  	v32 =	vadd.s32 v7, v25;
	v27 =	vld.idx.msk [tilespmem:v27+s4+$0x0], $0xffff  }
0x25: {  	v28 =	vld.idx.msk [tilespmem:v28+s4+$0x0], $0xffff  }
0x26: {  	v29 =	vld.idx.msk [tilespmem:v29+s4+$0x0], $0xffff  }
0x27: {  	v30 =	vld.idx.msk [tilespmem:v30+s4+$0x0], $0xffff  }
0x28: {  	v31 =	vld.idx.msk [tilespmem:v31+s4+$0x0], $0xffff;
	v33 =	vmax.f32 v24, v26  }
0x29: {  	v32 =	vld.idx.msk [tilespmem:v32+s4+$0x0], $0xffff;
	v33 =	vmax.f32 v33, v27  }
0x2a: {  	v33 =	vmax.f32 v33, v28  }
0x2b: {  	v33 =	vmax.f32 v33, v29  }
0x2c: {  	v33 =	vmax.f32 v33, v30  }
0x2d: {  	v33 =	vmax.f32 v33, v31  }
0x2e: {  	v33 =	vmax.f32 v33, v32  }
0x2f: {  	v24 =	vsub.f32 v24, v33  }
0x30: {  	v26 =	vsub.f32 v26, v33  }
0x31: {  	v24 =	vmul.f32 $1.442695020e+00, v24  }
0x32: {  	v27 =	vsub.f32 v27, v33;
	v26 =	vmul.f32 $1.442695020e+00, v26  }
0x33: {  	(erf) = vpow2.f32 v24  }
0x34: {  	v55 =	vsub.f32 v28, v33;
	v54 =	vmul.f32 $1.442695020e+00, v27;
	(erf) = vpow2.f32 v26;
	_ =	sdelay $0x1  }
0x35: {  	v57 =	vsub.f32 v29, v33;
	v56 =	vmul.f32 $1.442695020e+00, v55;
	(erf) = vpow2.f32 v54  }
0x36: {  	v58 =	vadd.s32 v8, v25;
	v59 =	vadd.s32 v9, v25  }
0x37: {  	v61 =	vsub.f32 v30, v33;
	v60 =	vmul.f32 $1.442695020e+00, v57;
	(erf) = vpow2.f32 v56  }
0x38: {  	v62 =	vadd.s32 v10, v25;
	v63 =	vadd.s32 v11, v25  }
0x39: {  	v37 =	vsub.f32 v31, v33;
	v36 =	vmul.f32 $1.442695020e+00, v61;
	(erf) = vpow2.f32 v60  }
0x3a: {  	v38 =	vadd.s32 v12, v25;
	v35 =	vadd.s32 v13, v25  }
0x3b: {  	v46 =	vsub.f32 v32, v33;
	v28 =	vld.idx.msk [tilespmem:v59+s4+$0x0], $0xffff;
	v39 =	vmul.f32 $1.442695020e+00, v37;
	v45 =	vpop (erf);
	(erf) = vpow2.f32 v36  }
0x3c: {  	v47 =	vadd.s32 v14, v25;
	v48 =	vadd.s32 v15, v25;
	v27 =	vld.idx.msk [tilespmem:v58+s4+$0x0], $0xffff;
	v42 =	vpop (erf)  }
0x3d: {  	v29 =	vld.idx.msk [tilespmem:v62+s4+$0x0], $0xffff;
	v49 =	vmul.f32 $1.442695020e+00, v46;
	(erf) = vpow2.f32 v39;
	v50 =	vadd.f32 v42, v45  }
0x3e: {  	v30 =	vld.idx.msk [tilespmem:v63+s4+$0x0], $0xffff;
	v34 =	vpop (erf)  }
0x3f: {  	v31 =	vld.idx.msk [tilespmem:v38+s4+$0x0], $0xffff;
	(erf) = vpow2.f32 v49;
	v51 =	vadd.f32 v50, v34  }
0x40: {  	v52 =	vld.idx.msk [tilespmem:v35+s4+$0x0], $0xffff;
	v40 =	vpop (erf)  }
0x41: {  	v32 =	vld.idx.msk [tilespmem:v47+s4+$0x0], $0xffff;
	v53 =	vmax.f32 v27, v28;
	v24 =	vadd.f32 v51, v40  }
0x42: {  	v33 =	vld.idx.msk [tilespmem:v48+s4+$0x0], $0xffff;
	v35 =	vmax.f32 v53, v29;
	v43 =	vpop (erf)  }
0x43: {  	v35 =	vmax.f32 v35, v30;
	v24 =	vadd.f32 v24, v43  }
0x44: {  	v35 =	vmax.f32 v35, v31;
	v44 =	vpop (erf)  }
0x45: {  	v35 =	vmax.f32 v35, v52;
	v24 =	vadd.f32 v24, v44  }
0x46: {  	v35 =	vmax.f32 v35, v32;
	v41 =	vpop (erf)  }
0x47: {  	v35 =	vmax.f32 v35, v33;
	v24 =	vadd.f32 v24, v41  }
0x48: {  	v27 =	vsub.f32 v27, v35;
	v36 =	vpop (erf)  }
0x49: {  	v28 =	vsub.f32 v28, v35;
	v24 =	vadd.f32 v24, v36  }
0x4a: {  	v27 =	vmul.f32 $1.442695020e+00, v27  }
0x4b: {  	v55 =	vsub.f32 v29, v35;
	v54 =	vmul.f32 $1.442695020e+00, v28;
	(erf) = vrcp.f32 v24  }
0x4c: {  	(erf) = vpow2.f32 v27  }
0x4d: {  	v57 =	vsub.f32 v30, v35;
	v56 =	vmul.f32 $1.442695020e+00, v55;
	(erf) = vpow2.f32 v54;
	_ =	sdelay $0x1  }
0x4e: {  	v59 =	vsub.f32 v31, v35;
	v58 =	vmul.f32 $1.442695020e+00, v57;
	(erf) = vpow2.f32 v56;
	_ =	sdelay $0x1  }
0x4f: {  	v26 =	vsub.f32 v52, v35;
	v60 =	vmul.f32 $1.442695020e+00, v59;
	(erf) = vpow2.f32 v58;
	_ =	sdelay $0x1  }
0x50: {  	v62 =	vsub.f32 v32, v35;
	v61 =	vmul.f32 $1.442695020e+00, v26;
	(erf) = vpow2.f32 v60  }
0x51: {  	v47 =	vpop (erf)  }
0x52: {  	v30 =	vsub.f32 v33, v35;
	v63 =	vmul.f32 $1.442695020e+00, v62;
	(erf) = vpow2.f32 v61;
	v49 =	vpop (erf)  }
0x53: {  	v31 =	vadd.s32 v16, v25;
	v35 =	vpop (erf)  }
0x54: {  	v46 =	vmul.f32 $1.442695020e+00, v30;
	(erf) = vpow2.f32 v63;
	v48 =	vadd.f32 v35, v49  }
0x55: {  	v38 =	vpop (erf)  }
0x56: {  	(erf) = vpow2.f32 v46;
	v50 =	vadd.f32 v48, v38  }
0x57: {  	v37 =	vpop (erf)  }
0x58: {  	v24 =	vadd.f32 v50, v37  }
0x59: {  	v29 =	vld.idx.msk [tilespmem:v31+s4+$0x0], $0xffff;
	v39 =	vpop (erf)  }
0x5a: {  	v24 =	vadd.f32 v24, v39  }
0x5b: {  	v32 =	vpop (erf)  }
0x5c: {  	v24 =	vadd.f32 v24, v32  }
0x5d: {  	v31 =	vpop (erf)  }
0x5e: {  	v51 =	vand.u32 $0x7FFFFFFF, v29;
	v24 =	vadd.f32 v24, v31  }
0x5f: {  	v26 =	vsub.f32 $0.0e+00, v51;
	v52 =	vpop (erf)  }
0x60: {  	v24 =	vadd.f32 v24, v52  }
0x61: {  	v26 =	vmul.f32 $1.442695020e+00, v26  }
0x62: {  	(erf) = vrcp.f32 v24  }
0x63: {  	(erf) = vpow2.f32 v26;
	_ =	sdelay $0x4  }
0x64: {  	v53 =	vadd.s32 v17, v25;
	_ =	sdelay $0x2  }
0x65: {  	v33 =	vpop (erf)  }
0x66: {  	v26 =	vpop (erf)  }
0x67: {  	v28 =	vld.idx.msk [tilespmem:v53+s4+$0x0], $0xffff;
	v51 =	vadd.f32 $1.000000000e+00, v26;
	_ =	sdelay $0x1  }
0x68: {  	v54 =	vand.u32 $0x7FFFFF, v51  }
0x69: {  	v24 =	vor.u32 $0x3F800000, v54  }
0x6a: {  	v55 =	vmul.f32 $5.000000000e-01, v24  }
0x6b: {  	v56 =	vand.u32 $0x7FFFFFFF, v28;
	vm1 =	vgt.f32 v24, $1.414213540e+00  }
0x6c: {  	v57 =	vsub.f32 $0.0e+00, v56;
	v24 =	vsel vm1, v55, v24  }
0x6d: {  	v58 =	vadd.f32 $1.000000000e+00, v24  }
0x6e: {  	v26 =	vmul.f32 $1.442695020e+00, v57  }
0x6f: {  	(erf) = vrcp.f32 v58  }
0x70: {  	(erf) = vpow2.f32 v26;
	_ =	sdelay $0x4  }
0x71: {  	v59 =	vadd.s32 v18, v25;
	_ =	sdelay $0x2  }
0x72: {  	v52 =	vpop (erf)  }
0x73: {  	v60 =	vpop (erf)  }
0x74: {  	v30 =	vld.idx.msk [tilespmem:v59+s4+$0x0], $0xffff;
	v50 =	vadd.f32 $1.000000000e+00, v60;
	_ =	sdelay $0x1  }
0x75: {  	v61 =	vand.u32 $0x7FFFFF, v50  }
0x76: {  	v26 =	vor.u32 $0x3F800000, v61  }
0x77: {  	v62 =	vmul.f32 $5.000000000e-01, v26  }
0x78: {  	v63 =	vand.u32 $0x7FFFFFFF, v30;
	vm4 =	vgt.f32 v26, $1.414213540e+00  }
0x79: {  	v46 =	vsub.f32 $0.0e+00, v63;
	v53 =	vsel vm4, v62, v26  }
0x7a: {  	v27 =	vadd.f32 $1.000000000e+00, v53  }
0x7b: {  	v26 =	vmul.f32 $1.442695020e+00, v46  }
0x7c: {  	(erf) = vrcp.f32 v27  }
0x7d: {  	(erf) = vpow2.f32 v26;
	_ =	sdelay $0x4  }
0x7e: {  	v48 =	vadd.s32 v19, v25;
	_ =	sdelay $0x2  }
0x7f: {  	v54 =	vpop (erf)  }
0x80: {  	v56 =	vpop (erf)  }
0x81: {  	v27 =	vld.idx.msk [tilespmem:v48+s4+$0x0], $0xffff;
	v48 =	vadd.f32 $1.000000000e+00, v56;
	_ =	sdelay $0x1  }
0x82: {  	v57 =	vand.u32 $0x7FFFFF, v48  }
0x83: {  	v26 =	vor.u32 $0x3F800000, v57  }
0x84: {  	v58 =	vmul.f32 $5.000000000e-01, v26  }
0x85: {  	v46 =	vand.u32 $0x7FFFFFFF, v27;
	vm3 =	vgt.f32 v26, $1.414213540e+00  }
0x86: {  	v59 =	vsub.f32 $0.0e+00, v46;
	v55 =	vsel vm3, v58, v26  }
0x87: {  	v36 =	vadd.f32 $1.000000000e+00, v55  }
0x88: {  	v26 =	vmul.f32 $1.442695020e+00, v59  }
0x89: {  	(erf) = vrcp.f32 v36  }
0x8a: {  	(erf) = vpow2.f32 v26;
	_ =	sdelay $0x4  }
0x8b: {  	v60 =	vadd.s32 v20, v25;
	_ =	sdelay $0x2  }
0x8c: {  	v56 =	vpop (erf)  }
0x8d: {  	v61 =	vpop (erf)  }
0x8e: {  	v26 =	vld.idx.msk [tilespmem:v60+s4+$0x0], $0xffff;
	v46 =	vadd.f32 $1.000000000e+00, v61;
	_ =	sdelay $0x1  }
0x8f: {  	v36 =	vand.u32 $0x7FFFFF, v46  }
0x90: {  	v36 =	vor.u32 $0x3F800000, v36  }
0x91: {  	v57 =	vmul.f32 $5.000000000e-01, v36  }
0x92: {  	v58 =	vand.u32 $0x7FFFFFFF, v26;
	vm2 =	vgt.f32 v36, $1.414213540e+00  }
0x93: {  	v62 =	vsub.f32 $0.0e+00, v58;
	v57 =	vsel vm2, v57, v36  }
0x94: {  	v63 =	vadd.f32 $1.000000000e+00, v57  }
0x95: {  	v36 =	vmul.f32 $1.442695020e+00, v62  }
0x96: {  	(erf) = vrcp.f32 v63  }
0x97: {  	(erf) = vpow2.f32 v36;
	_ =	sdelay $0x1  }
0x98: {  	v45 =	vmul.f32 $9.919999830e-01, v45  }
0x99: {  	v42 =	vmul.f32 $9.919999830e-01, v42;
	v34 =	vmul.f32 $9.919999830e-01, v34  }
0x9a: {  	v40 =	vmul.f32 $9.919999830e-01, v40;
	v43 =	vmul.f32 $9.919999830e-01, v43  }
0x9b: {  	v41 =	vmul.f32 $9.919999830e-01, v41;
	v45 =	vmul.f32 v47, v45;
	v36 =	vadd.s32 v21, v25  }
0x9c: {  	v29 =	vmax.f32 v29, $0.0e+00;
	v42 =	vmul.f32 v47, v42;
	v40 =	vmul.f32 v47, v40  }
0x9d: {  	v28 =	vmax.f32 v28, $0.0e+00;
	v43 =	vmul.f32 v47, v43;
	v41 =	vmul.f32 v47, v41  }
0x9e: {  	v49 =	vmul.f32 $9.919999830e-01, v49;
	v35 =	vmul.f32 $9.919999830e-01, v35;
	v59 =	vadd.f32 $-1.000000000e+00, v24;
	v58 =	vpop (erf)  }
0x9f: {  	v30 =	vmax.f32 v30, $0.0e+00;
	v38 =	vmul.f32 $9.919999830e-01, v38;
	v37 =	vmul.f32 $9.919999830e-01, v37;
	v60 =	vpop (erf)  }
0xa0: {  	v39 =	vmul.f32 $9.919999830e-01, v39;
	v52 =	vmul.f32 v52, v59;
	v24 =	vld.idx.msk [tilespmem:v36+s4+$0x0], $0xffff;
	v36 =	vadd.f32 $1.000000000e+00, v60  }
0xa1: {  	v45 =	vadd.f32 $1.000000050e-03, v45;
	v32 =	vmul.f32 $9.919999830e-01, v32;
	v31 =	vmul.f32 $9.919999830e-01, v31  }
0xa2: {  	v49 =	vmul.f32 v33, v49;
	v60 =	vmul.f32 v52, v52;
	v59 =	vand.u32 $0x7FFFFF, v36  }
0xa3: {  	v35 =	vmul.f32 v33, v35;
	v53 =	vadd.f32 $-1.000000000e+00, v53;
	v59 =	vor.u32 $0x3F800000, v59  }
0xa4: {  	v42 =	vadd.f32 $1.000000050e-03, v42;
	v62 =	vmul.f32 $1.111111120e-01, v60;
	v61 =	vmul.f32 $5.000000000e-01, v59  }
0xa5: {  	v53 =	vmul.f32 v54, v53;
	v63 =	vand.u32 $0x7FFFFFFF, v24;
	vm0 =	vgt.f32 v59, $1.414213540e+00  }
0xa6: {  	v54 =	vsel vm0, v61, v59;
	v59 =	vsub.f32 $0.0e+00, v63;
	v61 =	vadd.f32 $1.428571490e-01, v62  }
0xa7: {  	v38 =	vmul.f32 v33, v38;
	v63 =	vmul.f32 v53, v53;
	v62 =	vadd.f32 $1.000000000e+00, v54  }
0xa8: {  	v40 =	vadd.f32 $1.000000050e-03, v40;
	v59 =	vmul.f32 $1.442695020e+00, v59;
	v61 =	vmul.f32 v61, v60  }
0xa9: {  	v43 =	vadd.f32 $1.000000050e-03, v43;
	(erf) = vrcp.f32 v62;
	v62 =	vmul.f32 $1.111111120e-01, v63  }
0xaa: {  	v41 =	vadd.f32 $1.000000050e-03, v41;
	v37 =	vmul.f32 v33, v37;
	v39 =	vmul.f32 v33, v39  }
0xab: {  	(erf) = vpow2.f32 v59;
	v59 =	vadd.f32 $2.000000030e-01, v61;
	v61 =	vadd.f32 $1.428571490e-01, v62  }
0xac: {  	v32 =	vmul.f32 v33, v32;
	v49 =	vadd.f32 $1.000000050e-03, v49;
	v35 =	vadd.f32 $1.000000050e-03, v35  }
0xad: {  	v42 =	vadd.f32 v42, v45;
	v59 =	vmul.f32 v59, v60;
	v61 =	vmul.f32 v61, v63  }
0xae: {  	v38 =	vadd.f32 $1.000000050e-03, v38;
	v35 =	vadd.f32 v35, v49;
	v62 =	vmul.f32 v47, v34  }
0xaf: {  	v34 =	vmul.f32 $9.919999830e-01, v44;
	v44 =	vadd.f32 $3.333333430e-01, v59;
	v59 =	vadd.f32 $2.000000030e-01, v61  }
0xb0: {  	v33 =	vmul.f32 v33, v31;
	v37 =	vadd.f32 $1.000000050e-03, v37;
	v38 =	vadd.f32 v35, v38  }
0xb1: {  	v39 =	vadd.f32 $1.000000050e-03, v39;
	v51 =	vshrl.u32 v51, $0x17;
	v60 =	vmul.f32 v44, v60  }
0xb2: {  	v51 =	vand.u32 $0xFF, v51;
	v37 =	vadd.f32 v38, v37;
	v44 =	vmul.f32 v59, v63  }
0xb3: {  	v35 =	vmul.f32 $6.000000000e+00, v35;
	v52 =	vadd.f32 v52, v52;
	v60 =	vadd.f32 $1.000000000e+00, v60;
	v59 =	vpop (erf)  }
0xb4: {  	v25 =	vadd.s32 v22, v25;
	v61 =	vmul.f32 v47, v34;
	v44 =	vadd.f32 $3.333333430e-01, v44;
	v34 =	vpop (erf)  }
0xb5: {  	v38 =	vmul.f32 $6.000000000e+00, v38;
	v47 =	vmul.f32 v60, v52;
	v34 =	vadd.f32 $1.000000000e+00, v34  }
0xb6: {  	v52 =	vadd.f32 $-1.000000000e+00, v55;
	v60 =	vsel vm1, $0xFFFFFF82, v23;
	v44 =	vmul.f32 v44, v63  }
0xb7: {  	v53 =	vadd.f32 v53, v53;
	v51 =	vadd.s32 v51, v60;
	v55 =	vand.u32 $0x7FFFFF, v34  }
0xb8: {  	v52 =	vmul.f32 v56, v52;
	v44 =	vadd.f32 $1.000000000e+00, v44;
	v55 =	vor.u32 $0x3F800000, v55  }
0xb9: {  	v33 =	vadd.f32 $1.000000050e-03, v33;
	v25 =	vld.idx.msk [tilespmem:v25+s4+$0x0], $0xffff;
	v51 =	vcvt.s32.f32 v51;
	v63 =	vmul.f32 $5.000000000e-01, v55  }
0xba: {  	v39 =	vadd.f32 v37, v39;
	v44 =	vmul.f32 v44, v53;
	v53 =	vmul.f32 v52, v52  }
0xbb: {  	v37 =	vmul.f32 $6.000000000e+00, v37;
	v50 =	vshrl.u32 v50, $0x17;
	vm8 =	vgt.f32 v55, $1.414213540e+00  }
0xbc: {  	v51 =	vmul.f32 $6.931471820e-01, v51;
	v55 =	vsel vm8, v63, v55;
	v63 =	vmul.f32 $1.111111120e-01, v53  }
0xbd: {  	v37 =	vadd.f32 $-3.000000000e+00, v37;
	v50 =	vand.u32 $0xFF, v50;
	v57 =	vadd.f32 $-1.000000000e+00, v57  }
0xbe: {  	v60 =	vand.u32 $0x7FFFFFFF, v25;
	v47 =	vadd.f32 v47, v51;
	v51 =	vadd.f32 $1.428571490e-01, v63  }
0xbf: {  	v27 =	vmax.f32 v27, $0.0e+00;
	v57 =	vmul.f32 v58, v57;
	v58 =	vsub.f32 $0.0e+00, v60  }
0xc0: {  	v26 =	vmax.f32 v26, $0.0e+00;
	v56 =	vadd.f32 $1.000000000e+00, v55;
	v51 =	vmul.f32 v51, v53  }
0xc1: {  	v24 =	vmax.f32 v24, $0.0e+00;
	v60 =	vmul.f32 $1.442695020e+00, v58;
	v63 =	vsel vm4, $0xFFFFFF82, v23  }
0xc2: {  	(erf) = vrcp.f32 v56;
	v50 =	vadd.s32 v50, v63;
	v51 =	vadd.f32 $2.000000030e-01, v51  }
0xc3: {  	v36 =	vshrl.u32 v36, $0x17;
	(erf) = vpow2.f32 v60;
	v50 =	vcvt.s32.f32 v50  }
0xc4: {  	v60 =	vshrl.u32 v48, $0x17;
	v48 =	vmul.f32 v57, v57;
	v51 =	vmul.f32 v51, v53  }
0xc5: {  	v36 =	vand.u32 $0xFF, v36;
	v34 =	vshrl.u32 v34, $0x17;
	v52 =	vadd.f32 v52, v52  }
0xc6: {  	v50 =	vmul.f32 $6.931471820e-01, v50;
	v56 =	vmul.f32 $1.111111120e-01, v48;
	v58 =	vadd.f32 $3.333333430e-01, v51  }
0xc7: {  	v29 =	vadd.f32 v47, v29;
	v63 =	vsel vm3, $0xFFFFFF82, v23;
	v47 =	vand.u32 $0xFF, v60  }
0xc8: {  	v44 =	vadd.f32 v44, v50;
	v50 =	vadd.f32 $1.428571490e-01, v56;
	v31 =	vmul.f32 v58, v53  }
0xc9: {  	v29 =	vadd.f32 $1.000000050e-03, v29;
	v47 =	vadd.s32 v47, v63;
	v58 =	vadd.f32 $-1.000000000e+00, v54  }
0xca: {  	v47 =	vcvt.s32.f32 v47;
	v60 =	vmul.f32 v50, v48;
	v31 =	vadd.f32 $1.000000000e+00, v31  }
0xcb: {  	v56 =	vadd.f32 $1.000000050e-03, v62;
	v62 =	vsel vm2, $0xFFFFFF82, v23;
	v53 =	vpop (erf);
	v51 =	vmul.f32 v59, v58  }
0xcc: {  	v47 =	vmul.f32 $6.931471820e-01, v47;
	v63 =	vadd.f32 $2.000000030e-01, v60;
	v59 =	vpop (erf);
	v52 =	vmul.f32 v31, v52  }
0xcd: {  	v54 =	vadd.f32 $1.000000000e+00, v59;
	v31 =	vadd.f32 v44, v28;
	v44 =	vmul.f32 v51, v51  }
0xce: {  	v63 =	vmul.f32 v63, v48;
	v59 =	vadd.f32 $-1.000000000e+00, v55;
	v47 =	vadd.f32 v52, v47  }
0xcf: {  	v51 =	vadd.f32 v51, v51;
	v50 =	vand.u32 $0x7FFFFF, v54;
	v60 =	vmul.f32 $1.111111120e-01, v44  }
0xd0: {  	v50 =	vor.u32 $0x3F800000, v50;
	v31 =	vadd.f32 $1.000000050e-03, v31;
	v28 =	vadd.f32 v47, v30  }
0xd1: {  	v30 =	vshrl.u32 v46, $0x17;
	v46 =	vmul.f32 $5.000000000e-01, v50;
	v60 =	vadd.f32 $1.428571490e-01, v60  }
0xd2: {  	vm9 =	vgt.f32 v50, $1.414213540e+00;
	v47 =	vadd.f32 $3.333333430e-01, v63;
	v30 =	vand.u32 $0xFF, v30  }
0xd3: {  	v46 =	vsel vm9, v46, v50;
	v52 =	vmul.f32 v60, v44;
	v30 =	vadd.s32 v30, v62  }
0xd4: {  	v47 =	vmul.f32 v47, v48;
	v50 =	vadd.f32 $1.000000050e-03, v61;
	v60 =	vadd.f32 v57, v57  }
0xd5: {  	v61 =	vsel vm0, $0xFFFFFF82, v23;
	v57 =	vmul.f32 $6.000000000e+00, v45;
	v63 =	vadd.f32 $1.000000000e+00, v46  }
0xd6: {  	v30 =	vcvt.s32.f32 v30;
	v36 =	vadd.s32 v36, v61;
	v58 =	vadd.f32 $2.000000030e-01, v52  }
0xd7: {  	v47 =	vadd.f32 $1.000000000e+00, v47;
	v52 =	vmul.f32 v53, v59;
	(erf) = vrcp.f32 v63  }
0xd8: {  	v28 =	vadd.f32 $1.000000050e-03, v28;
	v36 =	vcvt.s32.f32 v36;
	v48 =	vmul.f32 v58, v44  }
0xd9: {  	v46 =	vadd.f32 $-1.000000000e+00, v46;
	v30 =	vmul.f32 $6.931471820e-01, v30;
	v47 =	vmul.f32 v47, v60  }
0xda: {  	v58 =	vadd.f32 v42, v56;
	v42 =	vmul.f32 $6.000000000e+00, v42;
	v48 =	vadd.f32 $3.333333430e-01, v48  }
0xdb: {  	v59 =	vmul.f32 $6.931471820e-01, v36;
	v36 =	vadd.f32 $-3.000000000e+00, v57;
	v30 =	vadd.f32 v47, v30  }
0xdc: {  	v40 =	vadd.f32 v58, v40;
	v44 =	vmul.f32 v48, v44;
	v48 =	vmul.f32 v52, v52  }
0xdd: {  	v57 =	vadd.f32 v52, v52;
	v42 =	vadd.f32 $-3.000000000e+00, v42;
	v45 =	vmul.f32 $6.000000000e+00, v58  }
0xde: {  	v53 =	vadd.f32 v30, v27;
	v43 =	vadd.f32 v40, v43;
	v62 =	vmul.f32 $1.111111120e-01, v48  }
0xdf: {  	v40 =	vmul.f32 $6.000000000e+00, v40;
	v45 =	vadd.f32 $-3.000000000e+00, v45;
	v44 =	vadd.f32 $1.000000000e+00, v44  }
0xe0: {  	v56 =	vsel vm8, $0xFFFFFF82, v23;
	v52 =	vsub.f32 v42, v36;
	v63 =	vadd.f32 $1.428571490e-01, v62;
	v55 =	vpop (erf)  }
0xe1: {  	v40 =	vadd.f32 $-3.000000000e+00, v40;
	v44 =	vmul.f32 v44, v51;
	v46 =	vmul.f32 v55, v46  }
0xe2: {  	v51 =	vadd.f32 $1.000000050e-03, v32;
	v62 =	vadd.f32 v43, v50;
	v47 =	vmul.f32 v63, v48  }
0xe3: {  	v43 =	vmul.f32 $6.000000000e+00, v43;
	v50 =	vadd.f32 $3.000000000e+00, v36;
	v30 =	vmul.f32 v46, v46  }
0xe4: {  	v55 =	vand.u32 $0xFF, v34;
	v27 =	vadd.f32 v44, v59;
	v47 =	vadd.f32 $2.000000030e-01, v47  }
0xe5: {  	v43 =	vadd.f32 $-3.000000000e+00, v43;
	v41 =	vadd.f32 v62, v41;
	v61 =	vmul.f32 $1.111111120e-01, v30  }
0xe6: {  	v63 =	vmul.f32 $6.000000000e+00, v49;
	v59 =	vshrl.u32 v54, $0x17;
	v60 =	vmul.f32 v47, v48  }
0xe7: {  	v49 =	vadd.f32 v27, v26;
	v26 =	vadd.s32 v55, v56;
	v44 =	vadd.f32 $1.428571490e-01, v61  }
0xe8: {  	v46 =	vadd.f32 v46, v46;
	v61 =	vcvt.s32.f32 v26;
	v32 =	vadd.f32 $3.333333430e-01, v60  }
0xe9: {  	v27 =	vadd.f32 $-3.000000000e+00, v63;
	v41 =	vmul.f32 $6.000000000e+00, v41;
	v44 =	vmul.f32 v44, v30  }
0xea: {  	v26 =	vld [tilespmem:s16+$0x0];
	v63 =	vmul.f32 $6.931471820e-01, v61;
	v61 =	vadd.f32 v39, v51;
	v32 =	vmul.f32 v32, v48  }
0xeb: {  	v47 =	vmul.f32 $6.000000000e+00, v62;
	v54 =	vadd.f32 $3.000000000e+00, v27;
	v44 =	vadd.f32 $2.000000030e-01, v44  }
0xec: {  	v25 =	vmax.f32 v25, $0.0e+00;
	v33 =	vadd.f32 v61, v33;
	v32 =	vadd.f32 $1.000000000e+00, v32  }
0xed: {  	v41 =	vadd.f32 $-3.000000000e+00, v41;
	v47 =	vadd.f32 $-3.000000000e+00, v47;
	v44 =	vmul.f32 v44, v30  }
0xee: {  	v60 =	vsel vm9, $0xFFFFFF82, v23;
	v33 =	vmul.f32 $6.000000000e+00, v33;
	v34 =	vmul.f32 v32, v57  }
0xef: {  	v55 =	vmax.f32 v26, $-3.000000000e+00;
	v57 =	vsub.f32 v45, v42;
	v58 =	vadd.f32 $3.333333430e-01, v44  }
0xf0: {  	v44 =	vand.u32 $0xFF, v59;
	v33 =	vadd.f32 $-3.000000000e+00, v33;
	v34 =	vadd.f32 v34, v63  }
0xf1: {  	v32 =	vadd.s32 v44, v60;
	v60 =	vsub.f32 v40, v45;
	v63 =	vsub.f32 v47, v43  }
0xf2: {  	v30 =	vmul.f32 v58, v30;
	v44 =	vcvt.s32.f32 v32;
	v32 =	vadd.f32 $-3.000000000e+00, v35  }
0xf3: {  	v24 =	vadd.f32 v34, v24;
	v34 =	vmin.f32 v55, $3.000000000e+00;
	v55 =	vadd.f32 $1.000000050e-03, v53  }
0xf4: {  	v39 =	vmul.f32 $6.000000000e+00, v39;
	v62 =	vadd.f32 $1.000000000e+00, v30;
	v30 =	vadd.f32 $-3.000000000e+00, v38  }
0xf5: {  	v44 =	vmul.f32 $6.931471820e-01, v44;
	v56 =	vsub.f32 v32, v27;
	vm10 =	vge.f32 v34, v36  }
0xf6: {  	vm11 =	vge.f32 v34, v42;
	vm12 =	vge.f32 v34, v45;
	vm6 =	vge.f32 v34, v40  }
0xf7: {  	vm5 =	vge.f32 v34, v43;
	vm13 =	vge.f32 v34, v47;
	vm14 =	vge.f32 v34, v41  }
0xf8: {  	v35 =	vsel vm10, v52, v50;
	v36 =	vnsel vm10, $0xC0400000, v36;
	v59 =	vnsel vm10, $0x3F800000, v29  }
0xf9: {  	v29 =	vsel vm10, v31, v29;
	v50 =	vsub.f32 $3.000000000e+00, v41;
	v52 =	vmul.f32 $6.000000000e+00, v61  }
0xfa: {  	v48 =	vmul.f32 v62, v46;
	v35 =	vsel vm11, v57, v35;
	v62 =	vsub.f32 v43, v40  }
0xfb: {  	v24 =	vadd.f32 $1.000000050e-03, v24;
	v58 =	vsub.f32 v30, v32;
	v35 =	vsel vm12, v60, v35  }
0xfc: {  	v38 =	vadd.f32 v48, v44;
	v35 =	vsel vm6, v62, v35;
	v48 =	vsub.f32 v41, v47  }
0xfd: {  	v36 =	vsel vm11, v42, v36;
	v31 =	vsel vm11, v31, v59;
	v35 =	vsel vm5, v63, v35  }
0xfe: {  	v51 =	vsub.f32 v37, v30;
	v29 =	vsel vm11, v28, v29;
	v35 =	vsel vm13, v48, v35  }
0xff: {  	v59 =	vadd.f32 $1.000000050e-03, v49;
	v28 =	vsel vm12, v28, v31;
	v35 =	vsel vm14, v50, v35  }
0x100: {  	v29 =	vsel vm12, v55, v29;
	v28 =	vsel vm6, v55, v28;
	(erf) = vrcp.f32 v35  }
0x101: {  	v36 =	vsel vm12, v45, v36;
	v29 =	vsel vm6, v59, v29;
	v28 =	vsel vm5, v59, v28  }
0x102: {  	v29 =	vsel vm5, v24, v29;
	v25 =	vadd.f32 v38, v25;
	v35 =	vadd.f32 $-3.000000000e+00, v39  }
0x103: {  	v38 =	vsel vm10, v56, v54;
	v56 =	vsel vm6, v40, v36;
	v36 =	vadd.f32 $-3.000000000e+00, v52  }
0x104: {  	v38 =	vsel vm11, v58, v38;
	v31 =	vsel vm5, v43, v56;
	v54 =	vsub.f32 v35, v37  }
0x105: {  	v58 =	vsub.f32 $3.000000000e+00, v33;
	v38 =	vsel vm12, v51, v38;
	v39 =	vsub.f32 v36, v35  }
0x106: {  	v57 =	vsub.f32 v33, v36;
	v31 =	vsel vm13, v47, v31;
	v38 =	vsel vm6, v54, v38  }
0x107: {  	v25 =	vadd.f32 $1.000000050e-03, v25;
	v31 =	vsel vm14, v41, v31;
	v38 =	vsel vm5, v39, v38  }
0x108: {  	v24 =	vsel vm13, v24, v28;
	v31 =	vsub.f32 v34, v31;
	v60 =	vsel vm13, v57, v38  }
0x109: {  	v62 =	vsel vm13, v25, v29;
	v24 =	vsel vm14, v25, v24;
	v34 =	vsel vm14, v58, v60;
	v61 =	vpop (erf)  }
0x10a: {  	v44 =	vsel vm14, $0x3F800000, v62;
	v31 =	vmul.f32 v61, v31;
	v63 =	vmul.f32 v34, v61  }
0x10b: {  	v46 =	vadd.f32 v44, v24  }
0x10c: {  	v45 =	vsub.f32 $1.000000000e+00, v31;
	v47 =	vadd.f32 v63, v63;
	_ =	sdelay $0x1  }
0x10d: {  	v48 =	vmul.f32 v45, v31;
	v38 =	vsub.f32 v46, v47;
	_ =	sdelay $0x1  }
0x10e: {  	v38 =	vmul.f32 v38, v48;
	_ =	sdelay $0x1  }
0x10f: {  	v38 =	vadd.f32 v38, v63;
	_ =	sdelay $0x1  }
0x110: {  	v49 =	vmul.f32 v38, v38  }
0x111: {  	(erf) = vrcp.f32 v38  }
0x112: {  	v31 =	vmul.f32 v31, v31;
	(erf) = vrcp.f32 v49  }
0x113: {  	v51 =	vmul.f32 v24, v45  }
0x114: {  	v25 =	vmul.f32 v44, v31;
	v50 =	vmul.f32 v47, v48;
	_ =	sdelay $0x1  }
0x115: {  	v28 =	vmul.f32 v51, v45;
	v25 =	vadd.f32 v25, v50;
	_ =	sdelay $0x1  }
0x116: {  	v52 =	vmul.f32 v63, v63;
	v25 =	vadd.f32 v25, v28;
	_ =	sdelay $0x1  }
0x117: {  	v25 =	vmul.f32 v25, v52;
	v53 =	vpop (erf)  }
0x118: {  	v54 =	vpop (erf)  }
0x119: {  	v25 =	vmul.f32 v54, v25;
	_ =	sdelay $0x1  }
0x11a: {  	v38 =	vand.u32 $0x7FFFFF, v25  }
0x11b: {  	v38 =	vor.u32 $0x3F800000, v38  }
0x11c: {  	v55 =	vmul.f32 $5.000000000e-01, v38  }
0x11d: {  	vm7 =	vgt.f32 v38, $1.414213540e+00  }
0x11e: {  	v38 =	vsel vm7, v55, v38  }
0x11f: {  	v39 =	vadd.f32 $1.000000000e+00, v38;
	_ =	sdelay $0x1  }
0x120: {  	(erf) = vrcp.f32 v39;
	_ =	sdelay $0x7  }
0x121: {  	v38 =	vadd.f32 $-1.000000000e+00, v38  }
0x122: {  	v39 =	vpop (erf)  }
0x123: {  	v38 =	vmul.f32 v39, v38;
	_ =	sdelay $0x1  }
0x124: {  	v39 =	vmul.f32 v38, v38;
	_ =	sdelay $0x1  }
0x125: {  	v56 =	vmul.f32 $1.111111120e-01, v39;
	_ =	sdelay $0x1  }
0x126: {  	v41 =	vadd.f32 $1.428571490e-01, v56;
	_ =	sdelay $0x1  }
0x127: {  	v41 =	vmul.f32 v41, v39;
	_ =	sdelay $0x1  }
0x128: {  	v41 =	vadd.f32 $2.000000030e-01, v41;
	_ =	sdelay $0x1  }
0x129: {  	v27 =	vnsel vm10, $0xC0400000, v27;
	v41 =	vmul.f32 v41, v39  }
0x12a: {  	v27 =	vsel vm11, v32, v27;
	v29 =	vmul.f32 v63, v31;
	v24 =	vmul.f32 v24, v48  }
0x12b: {  	v27 =	vsel vm12, v30, v27;
	v57 =	vadd.f32 $3.333333430e-01, v41  }
0x12c: {  	v27 =	vsel vm6, v37, v27;
	v24 =	vadd.f32 v24, v29;
	v25 =	vshrl.u32 v25, $0x17  }
0x12d: {  	v25 =	vand.u32 $0xFF, v25;
	v59 =	vsel vm7, $0xFFFFFF82, v23;
	v58 =	vmul.f32 v57, v39  }
0x12e: {  	v27 =	vsel vm5, v35, v27;
	v24 =	vmul.f32 v24, v34;
	v25 =	vadd.s32 v25, v59  }
0x12f: {  	v25 =	vcvt.s32.f32 v25;
	v60 =	vadd.f32 v38, v38;
	v29 =	vadd.f32 $1.000000000e+00, v58  }
0x130: {  	v27 =	vsel vm13, v36, v27;
	v24 =	vmul.f32 v53, v24  }
0x131: {  	p0 =	sne.s32 s15, $0x7F0;
	v27 =	vsel vm14, v33, v27;
	v25 =	vmul.f32 $6.931471820e-01, v25;
	v61 =	vmul.f32 v29, v60  }
.Ltmp0:
0x132: {  	v62 =	vand.u32 $0x7FFFFFFF, v26;
	v24 =	vadd.f32 v24, v27;
	(pc) =	sbr.rel @p0 .LBB2_3-.Ltmp0, $4  }
0x133: {  	vm15 =	vle.f32 v62, $3.000000000e+00;
	v25 =	vadd.f32 v61, v25  }
0x134: {  	v24 =	vsel vm15, v24, v26  }
0x135: {  	s15 =	sadd.s32 $0x10, s15;
	[tilespmem:s17+$0x0] =	vst v24;
	v63 =	vnsel vm15, $0x0, v25  }
0x136: {  	s16 =	sadd.s32 $0x10, s16;
	s17 =	sadd.s32 $0x10, s17;
	[tilespmem:s18+$0x0] =	vst v63;
	s18 =	sadd.s32 $0x10, s18  }
0x137: {  	s15 =	sadd.s32 s2, s14  }
0x138: {  	[hbm4b:s15+s4] =	stream.linear.scatter [tilespmem:s10], [sflag:$0x1], $0x800, $0x38;
	[tilespmem:$0xE000] =	vst v63  }
0x139: {  	s13 =	sadd.s32 $0x1, s13;
	_ =	swait.ge [sflag:s9], $0x800  }
0x13a: {  	p0 =	sne.s32 s13, $0x20;
	[sflag:s9] =	ssyncset.done $0x0  }
.Ltmp1:
0x13b: {  	s31 =	sadd.s32 s3, s14;
	[sflag:s9] =	ssyncadd.s32 $0xFFFFF800;
	(pc) =	sbr.rel @p0 .LBB2_2-.Ltmp1, $4  }
0x13c: {  	[hbm4b:s31+s4] =	stream.linear.scatter [tilespmem:s11], [sflag:$0x1], $0x800, $0x38;
	[tilespmem:$0xE000] =	vst v63  }
0x13d: {  	_ =	swait.ge [sflag:s9], $0x800  }
0x13e: {  	[sflag:s9] =	ssyncset.done $0x0  }
0x13f: {  	[sflag:s9] =	ssyncadd.s32 $0xFFFFF800  }
0x140: {  	s12 =	sadd.s32 $0x1, s12  }
0x141: {  	p0 =	sne.s32 s12, s8  }
.Ltmp2:
0x142: {  	_ = 	snop;
	(pc) =	sbr.rel @p0 .LBB2_1-.Ltmp2, $1  }
0x143: {  	_ =	sdelay $0x3  }
0x144: {  	_ =	sfence.sel $0x180000  }
0x145: {  	[bflag:$0x0] =	sbarrier.arrive $0xFFFF  }
0x146: {  	p0 =	sne.s32 s5, $0x0;
	_ =	strace $0x90000047  }
0x147: {  	s0 =	sadd.s32 @!p0 $0x100000, s0;
	[bflag:$0x2] =	sbarrier.arrive $0xFFFF  }
0x148: {  	[sflag:s0] =	ssyncadd.tile.s32 @!p0 $0x1;
	_ =	shalt  }
.Lfunc_end2:
_tile_overlayer_lowered:
.L_overlay_start_2:
0x149: {  	(tag) =	ssettag $0x2  }
0x14a: {  	s0 =	rddreg [dreg:$0x0];
	s2 =	stileid.u32  }
0x14b: {  	s1 =	rddreg [dreg:$0x1];
	p0 =	sne.s32 s2, $0x0  }
0x14c: {  	s3 =	rddreg [dreg:$0x2];
	[bflag:$0x3] =	sbarrier.arrive $0xFFFF;
	s2 =	simm.s32 @!p0 $0x1C01  }
0x14d: {  	[timem:s3], [sflag:s2] =	dma.local @!p0 [hbm:s0], s1  }
0x14e: {  	s0 =	simm.s32 @!p0 $0x1  }
0x14f: {  	_ =	swait.ge @!p0 [sflag:s0], s1  }
0x150: {  	s1 =	ssub.s32 @!p0 $0x0, s1;
	[sflag:s0] =	ssyncset.done @!p0 $0x0  }
0x151: {  	[sflag:s0] =	ssyncadd.s32 @!p0 s1  }
0x152: {  	[bflag:$0x3] =	sbarrier.arrive $0xFFFF  }
0x153: {  	_ =	shalt  }

</sc_bundles>
